<compile_context>
chip_gen: v7x
topology: tpu7x:2x2x1
jax: 0.10.2.dev20260603
libtpu: 0.0.44.dev20260713+nightly
codegen_flags: <defaults>
</compile_context>

<pallas_src>
import jax
import jax.numpy as jnp
from jax import lax
from jax.experimental import pallas as pl
from jax.experimental.pallas import tpu as pltpu
from jax.experimental.pallas import tpu_sc as plsc

N_CLASSES = 1000
D = 128
B = 16384
ALPHA = 0.5

NC = 2
NS = 16
L = 16
NW = NC * NS
ROWS_W = B // NW
CHUNK = 128
NCHUNK = ROWS_W // CHUNK
CPAD = 1024
CROWS = CPAD // NS
CW = 128


def _sc_body(feat_hbm, lab_hbm, out_sums, out_counts, out_ssq,
             feat_v, lab_v, ones_v, zs_v, zc_v, cb_v, ssq_v,
             stage_sems, scat_sem, zero_sem,
             sums_sh, counts_sh):
    c = lax.axis_index("c")
    s = lax.axis_index("s")
    w = c * NS + s
    base = w * ROWS_W
    rowbase = s * CROWS

    stage = [
        pltpu.async_copy(feat_hbm.at[pl.ds(base + j * CHUNK, CHUNK)],
                         feat_v.at[pl.ds(j * CHUNK, CHUNK)],
                         stage_sems.at[j])
        for j in range(NCHUNK)
    ]
    pltpu.sync_copy(lab_hbm.at[pl.ds(w * NCHUNK, NCHUNK)], lab_v)

    zvec = jnp.zeros((L,), jnp.float32)
    ovec = jnp.ones((L,), jnp.float32)

    def fill_zs(r, _):
        for jj in range(D // L):
            zs_v[r, pl.ds(jj * L, L)] = zvec
        return 0
    lax.fori_loop(0, CROWS, fill_zs, 0)

    def fill_ones(r, _):
        for jj in range(CW // L):
            ones_v[r, pl.ds(jj * L, L)] = ovec
        return 0
    lax.fori_loop(0, CHUNK, fill_ones, 0)

    z0 = pltpu.async_copy(zs_v, sums_sh.at[pl.ds(rowbase, CROWS)], zero_sem)
    z1 = pltpu.async_copy(zs_v, counts_sh.at[pl.ds(rowbase, CROWS)], zero_sem)
    z0.wait()
    z1.wait()
    plsc.subcore_barrier()

    scats = []
    acc = jnp.zeros((L,), jnp.float32)
    for j in range(NCHUNK):
        stage[j].wait()
        scats.append(pltpu.async_copy(feat_v.at[pl.ds(j * CHUNK, CHUNK)],
                                      sums_sh.at[lab_v.at[j]],
                                      scat_sem, add=True))
        scats.append(pltpu.async_copy(ones_v, counts_sh.at[lab_v.at[j]],
                                      scat_sem, add=True))

        def ssq_row(r, a):
            for jj in range(D // L):
                x = feat_v[r, pl.ds(jj * L, L)]
                a = a + x * x
            return a
        acc = lax.fori_loop(j * CHUNK, (j + 1) * CHUNK, ssq_row, acc)

    ssq_v[...] = acc
    pltpu.sync_copy(ssq_v, out_ssq.at[c, s])
    for h in scats:
        h.wait()
    plsc.subcore_barrier()

    pltpu.sync_copy(sums_sh.at[pl.ds(rowbase, CROWS)],
                    out_sums.at[c, pl.ds(rowbase, CROWS)])
    pltpu.sync_copy(counts_sh.at[pl.ds(rowbase, CROWS)], cb_v)

    def col_extract(r, _):
        zc_v[r, :] = cb_v[r, pl.ds(0, L)]
        return 0
    lax.fori_loop(0, CROWS, col_extract, 0)
    pltpu.sync_copy(zc_v, out_counts.at[c, pl.ds(rowbase, CROWS)])


_sc_call = pl.kernel(
    _sc_body,
    out_type=(
        jax.ShapeDtypeStruct((NC, CPAD, D), jnp.float32),
        jax.ShapeDtypeStruct((NC, CPAD, L), jnp.float32),
        jax.ShapeDtypeStruct((NC, NS, L), jnp.float32),
    ),
    mesh=plsc.VectorSubcoreMesh(core_axis_name="c", subcore_axis_name="s",
                                num_cores=NC, num_subcores=NS),
    scratch_types=[
        pltpu.VMEM((ROWS_W, D), jnp.float32),
        pltpu.VMEM((NCHUNK, CHUNK), jnp.int32),
        pltpu.VMEM((CHUNK, CW), jnp.float32),
        pltpu.VMEM((CROWS, D), jnp.float32),
        pltpu.VMEM((CROWS, L), jnp.float32),
        pltpu.VMEM((CROWS, CW), jnp.float32),
        pltpu.VMEM((L,), jnp.float32),
        pltpu.SemaphoreType.DMA((NCHUNK,)),
        pltpu.SemaphoreType.DMA,
        pltpu.SemaphoreType.DMA,
        pltpu.VMEM_SHARED((CPAD, D), jnp.float32),
        pltpu.VMEM_SHARED((CPAD, CW), jnp.float32),
    ],
    name="center_loss_sc_segment_sum",
)


def _tc_body(psums, pcounts, pssq, cen_ref, loss_ref, newc_ref):
    sums = (psums[0] + psums[1])[:N_CLASSES]
    cnt = (pcounts[0] + pcounts[1])[:N_CLASSES, 0:1]
    cen = cen_ref[...]
    means = sums / jnp.maximum(cnt, 1.0)
    newc_ref[...] = jnp.where(cnt > 0.0, (1.0 - ALPHA) * cen + ALPHA * means, cen)
    ssq = jnp.sum(pssq[...])
    dot_sc = jnp.sum(sums * cen)
    cn = jnp.sum(cen * cen, axis=1, keepdims=True)
    loss = (ssq - 2.0 * dot_sc + jnp.sum(cnt * cn)) / (B * D)
    loss_ref[...] = jnp.broadcast_to(loss, (1, 1))


_tc_call = pl.pallas_call(
    _tc_body,
    out_shape=(
        jax.ShapeDtypeStruct((1, 1), jnp.float32),
        jax.ShapeDtypeStruct((N_CLASSES, D), jnp.float32),
    ),
)


@jax.jit
def kernel(features, labels, centers):
    lab2 = labels.reshape(NW * NCHUNK, CHUNK)
    psums, pcounts, pssq = _sc_call(features, lab2)
    loss, newc = _tc_call(psums, pcounts, pssq, centers)
    return loss[0, 0], newc

# --- scband reference (transcript-rebuilt; emitter-appended) ---
"""Pipeline reference for scband-center-loss-25821343384187 (READ-ONLY COPY).

The authoritative reference and input builder live on the scoring server;
editing this copy changes nothing except your own understanding.
"""

import jax, jax.numpy as jnp
import numpy as np

N_CLASSES = 1000
EMBED_DIM = 128
ALPHA = 0.5
B = 16384


def setup_inputs(seed: int = 0) -> dict:
    key = jax.random.key(seed)
    k1, k2, k3 = jax.random.split(key, 3)
    features = jax.random.normal(k1, (B, EMBED_DIM), dtype=jnp.float32)
    labels = jax.random.randint(k2, (B,), 0, N_CLASSES, dtype=jnp.int32)
    # learnable class centers (nn.Parameter), xavier-uniform-ish init
    limit = float(np.sqrt(6.0 / (N_CLASSES + EMBED_DIM)))
    centers = jax.random.uniform(k3, (N_CLASSES, EMBED_DIM), dtype=jnp.float32, minval=-limit, maxval=limit)
    return {"features": features, "labels": labels, "centers": centers}


def reference(features, labels, centers):
    # loss = mse(features, centers[labels].detach())
    centers_batch = jax.lax.stop_gradient(jnp.take(centers, labels, axis=0))
    loss = jnp.mean((features - centers_batch) ** 2)
    # no-grad EMA center update via segment reduce (faithful to the per-class loop)
    ones = jnp.ones((features.shape[0],), dtype=features.dtype)
    counts = jax.ops.segment_sum(ones, labels, num_segments=N_CLASSES)
    sums = jax.ops.segment_sum(features, labels, num_segments=N_CLASSES)
    means = sums / jnp.maximum(counts, 1.0)[:, None]
    new_centers = jnp.where(counts[:, None] > 0,
                            (1.0 - ALPHA) * centers + ALPHA * means,
                            centers)
    return loss, new_centers

if __name__ == "__main__":
    import jax
    _d = setup_inputs()
    print(jax.jit(kernel)(*tuple(_d.values())))

</pallas_src>

<mosaic_0001>
#map = affine_map<(d0, d1) -> (0, 0)>
#map1 = affine_map<(d0, d1) -> (0, 0, 0)>
module attributes {stable_mosaic.version = 14 : i64} {
  func.func @center_loss_sc_segment_sum(%arg0: i32, %arg1: i32, %arg2: memref<16384x128xf32, #tpu.memory_space<hbm>>, %arg3: memref<128x128xi32, #tpu.memory_space<hbm>>, %arg4: memref<2x1024x128xf32, #tpu.memory_space<hbm>>, %arg5: memref<2x1024x16xf32, #tpu.memory_space<hbm>>, %arg6: memref<2x16x16xf32, #tpu.memory_space<hbm>>, %arg7: memref<512x128xf32, #tpu.memory_space<vmem>>, %arg8: memref<4x128xi32, #tpu.memory_space<vmem>>, %arg9: memref<128x128xf32, #tpu.memory_space<vmem>>, %arg10: memref<64x128xf32, #tpu.memory_space<vmem>>, %arg11: memref<64x16xf32, #tpu.memory_space<vmem>>, %arg12: memref<64x128xf32, #tpu.memory_space<vmem>>, %arg13: memref<16xf32, #tpu.memory_space<vmem>>, %arg14: memref<4x!tpu.dma_semaphore, #tpu.memory_space<semaphore_mem>>, %arg15: memref<!tpu.dma_semaphore, #tpu.memory_space<semaphore_mem>>, %arg16: memref<!tpu.dma_semaphore, #tpu.memory_space<semaphore_mem>>, %arg17: memref<1024x128xf32, #tpu.memory_space<vmem_shared>>, %arg18: memref<1024x128xf32, #tpu.memory_space<vmem_shared>>) attributes {dimension_semantics = [#tpu.dimension_semantics<core_parallel>, #tpu.dimension_semantics<subcore_parallel>], iteration_bounds = array<i64: 2, 16>, scalar_prefetch = 0 : i64, scratch_operands = 12 : i64, tpu.core_type = #tpu.core_type<sc_vector_subcore>, window_params = [{transform_indices = #map}, {transform_indices = #map}, {transform_indices = #map1}, {transform_indices = #map1}, {transform_indices = #map1}]} {
    %mul3A = arith.constant 16 : i32
    %mul3A_0 = arith.muli %arg0, %mul3A : i32
    %add3A = arith.addi %mul3A_0, %arg1 : i32
    %mul3A_1 = arith.constant 512 : i32
    %mul3A_2 = arith.muli %add3A, %mul3A_1 : i32
    %mul3A_3 = arith.constant 64 : i32
    %mul3A_4 = arith.muli %arg1, %mul3A_3 : i32
    %add3A_5 = arith.constant 0 : i32
    %add3A_6 = arith.addi %mul3A_2, %add3A_5 : i32
    %dma_start3A = arith.constant 0 : i32
    %dma_start3A_7 = arith.constant 0 : i32
    %dma_start3A_8 = arith.constant 0 : i32
    %dma_start3A_9 = tpu.memref_slice %arg7[%dma_start3A_7, %dma_start3A_8] : memref<512x128xf32, #tpu.memory_space<vmem>> -> memref<128x128xf32, #tpu.memory_space<vmem>>
    %dma_start3A_10 = arith.constant 0 : i32
    %dma_start3A_11 = tpu.memref_slice %arg2[%add3A_6, %dma_start3A_10] : memref<16384x128xf32, #tpu.memory_space<hbm>> -> memref<128x128xf32, #tpu.memory_space<hbm>>
    %dma_start3A_12 = tpu.memref_slice %arg14[%dma_start3A] : memref<4x!tpu.dma_semaphore, #tpu.memory_space<semaphore_mem>> -> memref<1x!tpu.dma_semaphore, #tpu.memory_space<semaphore_mem>>
    %dma_start3A_13 = tpu.memref_squeeze %dma_start3A_12 : memref<1x!tpu.dma_semaphore, #tpu.memory_space<semaphore_mem>> -> memref<!tpu.dma_semaphore, #tpu.memory_space<semaphore_mem>>
    %dma_start3A_14 = arith.constant 0 : i32
    %dma_start3A_15 = arith.constant 0 : i32
    %dma_start3A_16 = tpu.memref_slice %arg7[%dma_start3A_14, %dma_start3A_15] : memref<512x128xf32, #tpu.memory_space<vmem>> -> memref<128x128xf32, #tpu.memory_space<vmem>>
    %dma_start3A_17 = arith.constant 0 : i32
    %dma_start3A_18 = tpu.memref_slice %arg2[%add3A_6, %dma_start3A_17] : memref<16384x128xf32, #tpu.memory_space<hbm>> -> memref<128x128xf32, #tpu.memory_space<hbm>>
    tpu.enqueue_dma source(%dma_start3A_18 : memref<128x128xf32, #tpu.memory_space<hbm>>) target(%dma_start3A_16 : memref<128x128xf32, #tpu.memory_space<vmem>>) target_semaphore(%dma_start3A_13 : memref<!tpu.dma_semaphore, #tpu.memory_space<semaphore_mem>>)
    %add3A_19 = arith.constant 128 : i32
    %add3A_20 = arith.addi %mul3A_2, %add3A_19 : i32
    %dma_start3A_21 = arith.constant 1 : i32
    %dma_start3A_22 = arith.constant 128 : i32
    %dma_start3A_23 = arith.constant 0 : i32
    %dma_start3A_24 = tpu.memref_slice %arg7[%dma_start3A_22, %dma_start3A_23] : memref<512x128xf32, #tpu.memory_space<vmem>> -> memref<128x128xf32, #tpu.memory_space<vmem>>
    %dma_start3A_25 = arith.constant 0 : i32
    %dma_start3A_26 = tpu.memref_slice %arg2[%add3A_20, %dma_start3A_25] : memref<16384x128xf32, #tpu.memory_space<hbm>> -> memref<128x128xf32, #tpu.memory_space<hbm>>
    %dma_start3A_27 = tpu.memref_slice %arg14[%dma_start3A_21] : memref<4x!tpu.dma_semaphore, #tpu.memory_space<semaphore_mem>> -> memref<1x!tpu.dma_semaphore, #tpu.memory_space<semaphore_mem>>
    %dma_start3A_28 = tpu.memref_squeeze %dma_start3A_27 : memref<1x!tpu.dma_semaphore, #tpu.memory_space<semaphore_mem>> -> memref<!tpu.dma_semaphore, #tpu.memory_space<semaphore_mem>>
    %dma_start3A_29 = arith.constant 128 : i32
    %dma_start3A_30 = arith.constant 0 : i32
    %dma_start3A_31 = tpu.memref_slice %arg7[%dma_start3A_29, %dma_start3A_30] : memref<512x128xf32, #tpu.memory_space<vmem>> -> memref<128x128xf32, #tpu.memory_space<vmem>>
    %dma_start3A_32 = arith.constant 0 : i32
    %dma_start3A_33 = tpu.memref_slice %arg2[%add3A_20, %dma_start3A_32] : memref<16384x128xf32, #tpu.memory_space<hbm>> -> memref<128x128xf32, #tpu.memory_space<hbm>>
    tpu.enqueue_dma source(%dma_start3A_33 : memref<128x128xf32, #tpu.memory_space<hbm>>) target(%dma_start3A_31 : memref<128x128xf32, #tpu.memory_space<vmem>>) target_semaphore(%dma_start3A_28 : memref<!tpu.dma_semaphore, #tpu.memory_space<semaphore_mem>>)
    %add3A_34 = arith.constant 256 : i32
    %add3A_35 = arith.addi %mul3A_2, %add3A_34 : i32
    %dma_start3A_36 = arith.constant 2 : i32
    %dma_start3A_37 = arith.constant 256 : i32
    %dma_start3A_38 = arith.constant 0 : i32
    %dma_start3A_39 = tpu.memref_slice %arg7[%dma_start3A_37, %dma_start3A_38] : memref<512x128xf32, #tpu.memory_space<vmem>> -> memref<128x128xf32, #tpu.memory_space<vmem>>
    %dma_start3A_40 = arith.constant 0 : i32
    %dma_start3A_41 = tpu.memref_slice %arg2[%add3A_35, %dma_start3A_40] : memref<16384x128xf32, #tpu.memory_space<hbm>> -> memref<128x128xf32, #tpu.memory_space<hbm>>
    %dma_start3A_42 = tpu.memref_slice %arg14[%dma_start3A_36] : memref<4x!tpu.dma_semaphore, #tpu.memory_space<semaphore_mem>> -> memref<1x!tpu.dma_semaphore, #tpu.memory_space<semaphore_mem>>
    %dma_start3A_43 = tpu.memref_squeeze %dma_start3A_42 : memref<1x!tpu.dma_semaphore, #tpu.memory_space<semaphore_mem>> -> memref<!tpu.dma_semaphore, #tpu.memory_space<semaphore_mem>>
    %dma_start3A_44 = arith.constant 256 : i32
    %dma_start3A_45 = arith.constant 0 : i32
    %dma_start3A_46 = tpu.memref_slice %arg7[%dma_start3A_44, %dma_start3A_45] : memref<512x128xf32, #tpu.memory_space<vmem>> -> memref<128x128xf32, #tpu.memory_space<vmem>>
    %dma_start3A_47 = arith.constant 0 : i32
    %dma_start3A_48 = tpu.memref_slice %arg2[%add3A_35, %dma_start3A_47] : memref<16384x128xf32, #tpu.memory_space<hbm>> -> memref<128x128xf32, #tpu.memory_space<hbm>>
    tpu.enqueue_dma source(%dma_start3A_48 : memref<128x128xf32, #tpu.memory_space<hbm>>) target(%dma_start3A_46 : memref<128x128xf32, #tpu.memory_space<vmem>>) target_semaphore(%dma_start3A_43 : memref<!tpu.dma_semaphore, #tpu.memory_space<semaphore_mem>>)
    %add3A_49 = arith.constant 384 : i32
    %add3A_50 = arith.addi %mul3A_2, %add3A_49 : i32
    %dma_start3A_51 = arith.constant 3 : i32
    %dma_start3A_52 = arith.constant 384 : i32
    %dma_start3A_53 = arith.constant 0 : i32
    %dma_start3A_54 = tpu.memref_slice %arg7[%dma_start3A_52, %dma_start3A_53] : memref<512x128xf32, #tpu.memory_space<vmem>> -> memref<128x128xf32, #tpu.memory_space<vmem>>
    %dma_start3A_55 = arith.constant 0 : i32
    %dma_start3A_56 = tpu.memref_slice %arg2[%add3A_50, %dma_start3A_55] : memref<16384x128xf32, #tpu.memory_space<hbm>> -> memref<128x128xf32, #tpu.memory_space<hbm>>
    %dma_start3A_57 = tpu.memref_slice %arg14[%dma_start3A_51] : memref<4x!tpu.dma_semaphore, #tpu.memory_space<semaphore_mem>> -> memref<1x!tpu.dma_semaphore, #tpu.memory_space<semaphore_mem>>
    %dma_start3A_58 = tpu.memref_squeeze %dma_start3A_57 : memref<1x!tpu.dma_semaphore, #tpu.memory_space<semaphore_mem>> -> memref<!tpu.dma_semaphore, #tpu.memory_space<semaphore_mem>>
    %dma_start3A_59 = arith.constant 384 : i32
    %dma_start3A_60 = arith.constant 0 : i32
    %dma_start3A_61 = tpu.memref_slice %arg7[%dma_start3A_59, %dma_start3A_60] : memref<512x128xf32, #tpu.memory_space<vmem>> -> memref<128x128xf32, #tpu.memory_space<vmem>>
    %dma_start3A_62 = arith.constant 0 : i32
    %dma_start3A_63 = tpu.memref_slice %arg2[%add3A_50, %dma_start3A_62] : memref<16384x128xf32, #tpu.memory_space<hbm>> -> memref<128x128xf32, #tpu.memory_space<hbm>>
    tpu.enqueue_dma source(%dma_start3A_63 : memref<128x128xf32, #tpu.memory_space<hbm>>) target(%dma_start3A_61 : memref<128x128xf32, #tpu.memory_space<vmem>>) target_semaphore(%dma_start3A_58 : memref<!tpu.dma_semaphore, #tpu.memory_space<semaphore_mem>>)
    %mul3A_64 = arith.constant 4 : i32
    %mul3A_65 = arith.muli %add3A, %mul3A_64 : i32
    "tpu.region"() ({
      %run_scoped3A = tpu.sem_alloc : memref<!tpu.dma_semaphore, #tpu.memory_space<semaphore_mem>>
      %dma_start3A_322 = arith.constant 0 : i32
      %dma_start3A_323 = tpu.memref_slice %arg3[%mul3A_65, %dma_start3A_322] : memref<128x128xi32, #tpu.memory_space<hbm>> -> memref<4x128xi32, #tpu.memory_space<hbm>>
      %dma_start3A_324 = arith.constant 0 : i32
      %dma_start3A_325 = tpu.memref_slice %arg3[%mul3A_65, %dma_start3A_324] : memref<128x128xi32, #tpu.memory_space<hbm>> -> memref<4x128xi32, #tpu.memory_space<hbm>>
      tpu.enqueue_dma source(%dma_start3A_325 : memref<4x128xi32, #tpu.memory_space<hbm>>) target(%arg8 : memref<4x128xi32, #tpu.memory_space<vmem>>) target_semaphore(%run_scoped3A : memref<!tpu.dma_semaphore, #tpu.memory_space<semaphore_mem>>)
      %dma_wait3A_326 = arith.constant 0 : i32
      %dma_wait3A_327 = tpu.memref_slice %arg3[%mul3A_65, %dma_wait3A_326] : memref<128x128xi32, #tpu.memory_space<hbm>> -> memref<4x128xi32, #tpu.memory_space<hbm>>
      %dma_wait3A_328 = arith.constant 0 : i32
      %dma_wait3A_329 = tpu.memref_slice %arg3[%mul3A_65, %dma_wait3A_328] : memref<128x128xi32, #tpu.memory_space<hbm>> -> memref<4x128xi32, #tpu.memory_space<hbm>>
      tpu.wait_dma2 semaphore(%run_scoped3A : memref<!tpu.dma_semaphore, #tpu.memory_space<semaphore_mem>>) src(%dma_wait3A_329 : memref<4x128xi32, #tpu.memory_space<hbm>>) dst(%arg8 : memref<4x128xi32, #tpu.memory_space<vmem>>)
      tpu.yield
    }) : () -> ()
    %broadcast_in_dim3A = arith.constant 0.000000e+00 : f32
    %broadcast_in_dim3A_66 = vector.broadcast %broadcast_in_dim3A : f32 to vector<16xf32>
    %broadcast_in_dim3A_67 = arith.constant 1.000000e+00 : f32
    %broadcast_in_dim3A_68 = vector.broadcast %broadcast_in_dim3A_67 : f32 to vector<16xf32>
    %scan3A = arith.constant 0 : i32
    %scan3A_69 = arith.constant 0 : i32
    %scan3A_70 = arith.constant 64 : i32
    %scan3A_71 = arith.addi %scan3A_69, %scan3A_70 : i32
    %scan3A_72 = arith.constant 1 : i32
    %scan3A_73 = scf.for %scan3A_322 = %scan3A_69 to %scan3A_71 step %scan3A_72 iter_args(%scan3A_323 = %scan3A) -> (i32)  : i32 {
      %swap3A_324 = arith.index_cast %scan3A_322 : i32 to index
      %swap3A_325 = arith.constant 0 : index
      %swap3A_326 = tpu.vector_load %arg10[%swap3A_324, %swap3A_325] {strides = array<i32>} : memref<64x128xf32, #tpu.memory_space<vmem>>, vector<1x16xf32>,
      %swap3A_327 = vector.shape_cast %swap3A_326 : vector<1x16xf32> to vector<16xf32>
      %swap3A_328 = vector.shape_cast %broadcast_in_dim3A_66 : vector<16xf32> to vector<1x16xf32>
      tpu.vector_store %arg10[%swap3A_324, %swap3A_325], %swap3A_328 {strides = array<i32>} : memref<64x128xf32, #tpu.memory_space<vmem>>, vector<1x16xf32>,
      %swap3A_329 = arith.index_cast %scan3A_322 : i32 to index
      %swap3A_330 = arith.constant 16 : index
      %swap3A_331 = tpu.vector_load %arg10[%swap3A_329, %swap3A_330] {strides = array<i32>} : memref<64x128xf32, #tpu.memory_space<vmem>>, vector<1x16xf32>,
      %swap3A_332 = vector.shape_cast %swap3A_331 : vector<1x16xf32> to vector<16xf32>
      %swap3A_333 = vector.shape_cast %broadcast_in_dim3A_66 : vector<16xf32> to vector<1x16xf32>
      tpu.vector_store %arg10[%swap3A_329, %swap3A_330], %swap3A_333 {strides = array<i32>} : memref<64x128xf32, #tpu.memory_space<vmem>>, vector<1x16xf32>,
      %swap3A_334 = arith.index_cast %scan3A_322 : i32 to index
      %swap3A_335 = arith.constant 32 : index
      %swap3A_336 = tpu.vector_load %arg10[%swap3A_334, %swap3A_335] {strides = array<i32>} : memref<64x128xf32, #tpu.memory_space<vmem>>, vector<1x16xf32>,
      %swap3A_337 = vector.shape_cast %swap3A_336 : vector<1x16xf32> to vector<16xf32>
      %swap3A_338 = vector.shape_cast %broadcast_in_dim3A_66 : vector<16xf32> to vector<1x16xf32>
      tpu.vector_store %arg10[%swap3A_334, %swap3A_335], %swap3A_338 {strides = array<i32>} : memref<64x128xf32, #tpu.memory_space<vmem>>, vector<1x16xf32>,
      %swap3A_339 = arith.index_cast %scan3A_322 : i32 to index
      %swap3A_340 = arith.constant 48 : index
      %swap3A_341 = tpu.vector_load %arg10[%swap3A_339, %swap3A_340] {strides = array<i32>} : memref<64x128xf32, #tpu.memory_space<vmem>>, vector<1x16xf32>,
      %swap3A_342 = vector.shape_cast %swap3A_341 : vector<1x16xf32> to vector<16xf32>
      %swap3A_343 = vector.shape_cast %broadcast_in_dim3A_66 : vector<16xf32> to vector<1x16xf32>
      tpu.vector_store %arg10[%swap3A_339, %swap3A_340], %swap3A_343 {strides = array<i32>} : memref<64x128xf32, #tpu.memory_space<vmem>>, vector<1x16xf32>,
      %swap3A_344 = arith.index_cast %scan3A_322 : i32 to index
      %swap3A_345 = arith.constant 64 : index
      %swap3A_346 = tpu.vector_load %arg10[%swap3A_344, %swap3A_345] {strides = array<i32>} : memref<64x128xf32, #tpu.memory_space<vmem>>, vector<1x16xf32>,
      %swap3A_347 = vector.shape_cast %swap3A_346 : vector<1x16xf32> to vector<16xf32>
      %swap3A_348 = vector.shape_cast %broadcast_in_dim3A_66 : vector<16xf32> to vector<1x16xf32>
      tpu.vector_store %arg10[%swap3A_344, %swap3A_345], %swap3A_348 {strides = array<i32>} : memref<64x128xf32, #tpu.memory_space<vmem>>, vector<1x16xf32>,
      %swap3A_349 = arith.index_cast %scan3A_322 : i32 to index
      %swap3A_350 = arith.constant 80 : index
      %swap3A_351 = tpu.vector_load %arg10[%swap3A_349, %swap3A_350] {strides = array<i32>} : memref<64x128xf32, #tpu.memory_space<vmem>>, vector<1x16xf32>,
      %swap3A_352 = vector.shape_cast %swap3A_351 : vector<1x16xf32> to vector<16xf32>
      %swap3A_353 = vector.shape_cast %broadcast_in_dim3A_66 : vector<16xf32> to vector<1x16xf32>
      tpu.vector_store %arg10[%swap3A_349, %swap3A_350], %swap3A_353 {strides = array<i32>} : memref<64x128xf32, #tpu.memory_space<vmem>>, vector<1x16xf32>,
      %swap3A_354 = arith.index_cast %scan3A_322 : i32 to index
      %swap3A_355 = arith.constant 96 : index
      %swap3A_356 = tpu.vector_load %arg10[%swap3A_354, %swap3A_355] {strides = array<i32>} : memref<64x128xf32, #tpu.memory_space<vmem>>, vector<1x16xf32>,
      %swap3A_357 = vector.shape_cast %swap3A_356 : vector<1x16xf32> to vector<16xf32>
      %swap3A_358 = vector.shape_cast %broadcast_in_dim3A_66 : vector<16xf32> to vector<1x16xf32>
      tpu.vector_store %arg10[%swap3A_354, %swap3A_355], %swap3A_358 {strides = array<i32>} : memref<64x128xf32, #tpu.memory_space<vmem>>, vector<1x16xf32>,
      %swap3A_359 = arith.index_cast %scan3A_322 : i32 to index
      %swap3A_360 = arith.constant 112 : index
      %swap3A_361 = tpu.vector_load %arg10[%swap3A_359, %swap3A_360] {strides = array<i32>} : memref<64x128xf32, #tpu.memory_space<vmem>>, vector<1x16xf32>,
      %swap3A_362 = vector.shape_cast %swap3A_361 : vector<1x16xf32> to vector<16xf32>
      %swap3A_363 = vector.shape_cast %broadcast_in_dim3A_66 : vector<16xf32> to vector<1x16xf32>
      tpu.vector_store %arg10[%swap3A_359, %swap3A_360], %swap3A_363 {strides = array<i32>} : memref<64x128xf32, #tpu.memory_space<vmem>>, vector<1x16xf32>,
      %scan3A_364 = arith.constant 0 : i32
      scf.yield %scan3A_364 : i32
    }
    %scan3A_74 = arith.constant 64 : i32
    %scan3A_75 = arith.constant 0 : i32
    %scan3A_76 = arith.constant 0 : i32
    %scan3A_77 = arith.constant 128 : i32
    %scan3A_78 = arith.addi %scan3A_76, %scan3A_77 : i32
    %scan3A_79 = arith.constant 1 : i32
    %scan3A_80 = scf.for %scan3A_322 = %scan3A_76 to %scan3A_78 step %scan3A_79 iter_args(%scan3A_323 = %scan3A_75) -> (i32)  : i32 {
      %swap3A_324 = arith.index_cast %scan3A_322 : i32 to index
      %swap3A_325 = arith.constant 0 : index
      %swap3A_326 = tpu.vector_load %arg9[%swap3A_324, %swap3A_325] {strides = array<i32>} : memref<128x128xf32, #tpu.memory_space<vmem>>, vector<1x16xf32>,
      %swap3A_327 = vector.shape_cast %swap3A_326 : vector<1x16xf32> to vector<16xf32>
      %swap3A_328 = vector.shape_cast %broadcast_in_dim3A_68 : vector<16xf32> to vector<1x16xf32>
      tpu.vector_store %arg9[%swap3A_324, %swap3A_325], %swap3A_328 {strides = array<i32>} : memref<128x128xf32, #tpu.memory_space<vmem>>, vector<1x16xf32>,
      %swap3A_329 = arith.index_cast %scan3A_322 : i32 to index
      %swap3A_330 = arith.constant 16 : index
      %swap3A_331 = tpu.vector_load %arg9[%swap3A_329, %swap3A_330] {strides = array<i32>} : memref<128x128xf32, #tpu.memory_space<vmem>>, vector<1x16xf32>,
      %swap3A_332 = vector.shape_cast %swap3A_331 : vector<1x16xf32> to vector<16xf32>
      %swap3A_333 = vector.shape_cast %broadcast_in_dim3A_68 : vector<16xf32> to vector<1x16xf32>
      tpu.vector_store %arg9[%swap3A_329, %swap3A_330], %swap3A_333 {strides = array<i32>} : memref<128x128xf32, #tpu.memory_space<vmem>>, vector<1x16xf32>,
      %swap3A_334 = arith.index_cast %scan3A_322 : i32 to index
      %swap3A_335 = arith.constant 32 : index
      %swap3A_336 = tpu.vector_load %arg9[%swap3A_334, %swap3A_335] {strides = array<i32>} : memref<128x128xf32, #tpu.memory_space<vmem>>, vector<1x16xf32>,
      %swap3A_337 = vector.shape_cast %swap3A_336 : vector<1x16xf32> to vector<16xf32>
      %swap3A_338 = vector.shape_cast %broadcast_in_dim3A_68 : vector<16xf32> to vector<1x16xf32>
      tpu.vector_store %arg9[%swap3A_334, %swap3A_335], %swap3A_338 {strides = array<i32>} : memref<128x128xf32, #tpu.memory_space<vmem>>, vector<1x16xf32>,
      %swap3A_339 = arith.index_cast %scan3A_322 : i32 to index
      %swap3A_340 = arith.constant 48 : index
      %swap3A_341 = tpu.vector_load %arg9[%swap3A_339, %swap3A_340] {strides = array<i32>} : memref<128x128xf32, #tpu.memory_space<vmem>>, vector<1x16xf32>,
      %swap3A_342 = vector.shape_cast %swap3A_341 : vector<1x16xf32> to vector<16xf32>
      %swap3A_343 = vector.shape_cast %broadcast_in_dim3A_68 : vector<16xf32> to vector<1x16xf32>
      tpu.vector_store %arg9[%swap3A_339, %swap3A_340], %swap3A_343 {strides = array<i32>} : memref<128x128xf32, #tpu.memory_space<vmem>>, vector<1x16xf32>,
      %swap3A_344 = arith.index_cast %scan3A_322 : i32 to index
      %swap3A_345 = arith.constant 64 : index
      %swap3A_346 = tpu.vector_load %arg9[%swap3A_344, %swap3A_345] {strides = array<i32>} : memref<128x128xf32, #tpu.memory_space<vmem>>, vector<1x16xf32>,
      %swap3A_347 = vector.shape_cast %swap3A_346 : vector<1x16xf32> to vector<16xf32>
      %swap3A_348 = vector.shape_cast %broadcast_in_dim3A_68 : vector<16xf32> to vector<1x16xf32>
      tpu.vector_store %arg9[%swap3A_344, %swap3A_345], %swap3A_348 {strides = array<i32>} : memref<128x128xf32, #tpu.memory_space<vmem>>, vector<1x16xf32>,
      %swap3A_349 = arith.index_cast %scan3A_322 : i32 to index
      %swap3A_350 = arith.constant 80 : index
      %swap3A_351 = tpu.vector_load %arg9[%swap3A_349, %swap3A_350] {strides = array<i32>} : memref<128x128xf32, #tpu.memory_space<vmem>>, vector<1x16xf32>,
      %swap3A_352 = vector.shape_cast %swap3A_351 : vector<1x16xf32> to vector<16xf32>
      %swap3A_353 = vector.shape_cast %broadcast_in_dim3A_68 : vector<16xf32> to vector<1x16xf32>
      tpu.vector_store %arg9[%swap3A_349, %swap3A_350], %swap3A_353 {strides = array<i32>} : memref<128x128xf32, #tpu.memory_space<vmem>>, vector<1x16xf32>,
      %swap3A_354 = arith.index_cast %scan3A_322 : i32 to index
      %swap3A_355 = arith.constant 96 : index
      %swap3A_356 = tpu.vector_load %arg9[%swap3A_354, %swap3A_355] {strides = array<i32>} : memref<128x128xf32, #tpu.memory_space<vmem>>, vector<1x16xf32>,
      %swap3A_357 = vector.shape_cast %swap3A_356 : vector<1x16xf32> to vector<16xf32>
      %swap3A_358 = vector.shape_cast %broadcast_in_dim3A_68 : vector<16xf32> to vector<1x16xf32>
      tpu.vector_store %arg9[%swap3A_354, %swap3A_355], %swap3A_358 {strides = array<i32>} : memref<128x128xf32, #tpu.memory_space<vmem>>, vector<1x16xf32>,
      %swap3A_359 = arith.index_cast %scan3A_322 : i32 to index
      %swap3A_360 = arith.constant 112 : index
      %swap3A_361 = tpu.vector_load %arg9[%swap3A_359, %swap3A_360] {strides = array<i32>} : memref<128x128xf32, #tpu.memory_space<vmem>>, vector<1x16xf32>,
      %swap3A_362 = vector.shape_cast %swap3A_361 : vector<1x16xf32> to vector<16xf32>
      %swap3A_363 = vector.shape_cast %broadcast_in_dim3A_68 : vector<16xf32> to vector<1x16xf32>
      tpu.vector_store %arg9[%swap3A_359, %swap3A_360], %swap3A_363 {strides = array<i32>} : memref<128x128xf32, #tpu.memory_space<vmem>>, vector<1x16xf32>,
      %scan3A_364 = arith.constant 0 : i32
      scf.yield %scan3A_364 : i32
    }
    %scan3A_81 = arith.constant 128 : i32
    %dma_start3A_82 = arith.constant 0 : i32
    %dma_start3A_83 = tpu.memref_slice %arg17[%mul3A_4, %dma_start3A_82] : memref<1024x128xf32, #tpu.memory_space<vmem_shared>> -> memref<64x128xf32, #tpu.memory_space<vmem_shared>>
    %dma_start3A_84 = arith.constant 0 : i32
    %dma_start3A_85 = tpu.memref_slice %arg17[%mul3A_4, %dma_start3A_84] : memref<1024x128xf32, #tpu.memory_space<vmem_shared>> -> memref<64x128xf32, #tpu.memory_space<vmem_shared>>
    tpu.enqueue_dma source(%arg10 : memref<64x128xf32, #tpu.memory_space<vmem>>) target(%dma_start3A_85 : memref<64x128xf32, #tpu.memory_space<vmem_shared>>) target_semaphore(%arg16 : memref<!tpu.dma_semaphore, #tpu.memory_space<semaphore_mem>>)
    %dma_start3A_86 = arith.constant 0 : i32
    %dma_start3A_87 = tpu.memref_slice %arg18[%mul3A_4, %dma_start3A_86] : memref<1024x128xf32, #tpu.memory_space<vmem_shared>> -> memref<64x128xf32, #tpu.memory_space<vmem_shared>>
    %dma_start3A_88 = arith.constant 0 : i32
    %dma_start3A_89 = tpu.memref_slice %arg18[%mul3A_4, %dma_start3A_88] : memref<1024x128xf32, #tpu.memory_space<vmem_shared>> -> memref<64x128xf32, #tpu.memory_space<vmem_shared>>
    tpu.enqueue_dma source(%arg10 : memref<64x128xf32, #tpu.memory_space<vmem>>) target(%dma_start3A_89 : memref<64x128xf32, #tpu.memory_space<vmem_shared>>) target_semaphore(%arg16 : memref<!tpu.dma_semaphore, #tpu.memory_space<semaphore_mem>>)
    %dma_wait3A = arith.constant 0 : i32
    %dma_wait3A_90 = tpu.memref_slice %arg17[%mul3A_4, %dma_wait3A] : memref<1024x128xf32, #tpu.memory_space<vmem_shared>> -> memref<64x128xf32, #tpu.memory_space<vmem_shared>>
    %dma_wait3A_91 = arith.constant 0 : i32
    %dma_wait3A_92 = tpu.memref_slice %arg17[%mul3A_4, %dma_wait3A_91] : memref<1024x128xf32, #tpu.memory_space<vmem_shared>> -> memref<64x128xf32, #tpu.memory_space<vmem_shared>>
    tpu.wait_dma2 semaphore(%arg16 : memref<!tpu.dma_semaphore, #tpu.memory_space<semaphore_mem>>) src(%arg10 : memref<64x128xf32, #tpu.memory_space<vmem>>) dst(%dma_wait3A_92 : memref<64x128xf32, #tpu.memory_space<vmem_shared>>)
    %dma_wait3A_93 = arith.constant 0 : i32
    %dma_wait3A_94 = tpu.memref_slice %arg18[%mul3A_4, %dma_wait3A_93] : memref<1024x128xf32, #tpu.memory_space<vmem_shared>> -> memref<64x128xf32, #tpu.memory_space<vmem_shared>>
    %dma_wait3A_95 = arith.constant 0 : i32
    %dma_wait3A_96 = tpu.memref_slice %arg18[%mul3A_4, %dma_wait3A_95] : memref<1024x128xf32, #tpu.memory_space<vmem_shared>> -> memref<64x128xf32, #tpu.memory_space<vmem_shared>>
    tpu.wait_dma2 semaphore(%arg16 : memref<!tpu.dma_semaphore, #tpu.memory_space<semaphore_mem>>) src(%arg10 : memref<64x128xf32, #tpu.memory_space<vmem>>) dst(%dma_wait3A_96 : memref<64x128xf32, #tpu.memory_space<vmem_shared>>)
    %barrier3A = arith.constant 0 : index
    tpu.barrier barrier_id(%barrier3A)
    %broadcast_in_dim3A_97 = arith.constant 0.000000e+00 : f32
    %broadcast_in_dim3A_98 = vector.broadcast %broadcast_in_dim3A_97 : f32 to vector<16xf32>
    %dma_wait3A_99 = arith.constant 0 : i32
    %dma_wait3A_100 = arith.constant 0 : i32
    %dma_wait3A_101 = arith.constant 0 : i32
    %dma_wait3A_102 = tpu.memref_slice %arg7[%dma_wait3A_100, %dma_wait3A_101] : memref<512x128xf32, #tpu.memory_space<vmem>> -> memref<128x128xf32, #tpu.memory_space<vmem>>
    %dma_wait3A_103 = arith.constant 0 : i32
    %dma_wait3A_104 = tpu.memref_slice %arg2[%add3A_6, %dma_wait3A_103] : memref<16384x128xf32, #tpu.memory_space<hbm>> -> memref<128x128xf32, #tpu.memory_space<hbm>>
    %dma_wait3A_105 = tpu.memref_slice %arg14[%dma_wait3A_99] : memref<4x!tpu.dma_semaphore, #tpu.memory_space<semaphore_mem>> -> memref<1x!tpu.dma_semaphore, #tpu.memory_space<semaphore_mem>>
    %dma_wait3A_106 = tpu.memref_squeeze %dma_wait3A_105 : memref<1x!tpu.dma_semaphore, #tpu.memory_space<semaphore_mem>> -> memref<!tpu.dma_semaphore, #tpu.memory_space<semaphore_mem>>
    %dma_wait3A_107 = arith.constant 0 : i32
    %dma_wait3A_108 = arith.constant 0 : i32
    %dma_wait3A_109 = tpu.memref_slice %arg7[%dma_wait3A_107, %dma_wait3A_108] : memref<512x128xf32, #tpu.memory_space<vmem>> -> memref<128x128xf32, #tpu.memory_space<vmem>>
    %dma_wait3A_110 = arith.constant 0 : i32
    %dma_wait3A_111 = tpu.memref_slice %arg2[%add3A_6, %dma_wait3A_110] : memref<16384x128xf32, #tpu.memory_space<hbm>> -> memref<128x128xf32, #tpu.memory_space<hbm>>
    tpu.wait_dma2 semaphore(%dma_wait3A_106 : memref<!tpu.dma_semaphore, #tpu.memory_space<semaphore_mem>>) src(%dma_wait3A_111 : memref<128x128xf32, #tpu.memory_space<hbm>>) dst(%dma_wait3A_109 : memref<128x128xf32, #tpu.memory_space<vmem>>)
    %dma_start3A_112 = arith.constant 0 : i32
    %dma_start3A_113 = arith.constant 0 : i32
    %dma_start3A_114 = arith.constant 0 : i32
    %dma_start3A_115 = tpu.memref_slice %arg7[%dma_start3A_113, %dma_start3A_114] : memref<512x128xf32, #tpu.memory_space<vmem>> -> memref<128x128xf32, #tpu.memory_space<vmem>>
    %dma_start3A_116 = arith.constant 0 : i32
    %dma_start3A_117 = tpu.memref_slice %arg8[%dma_start3A_112, %dma_start3A_116] : memref<4x128xi32, #tpu.memory_space<vmem>> -> memref<1x128xi32, #tpu.memory_space<vmem>>
    %dma_start3A_118 = tpu.memref_squeeze %dma_start3A_117 : memref<1x128xi32, #tpu.memory_space<vmem>> -> memref<128xi32, #tpu.memory_space<vmem>>
    %dma_start3A_119 = arith.constant 0 : i32
    %dma_start3A_120 = arith.constant 0 : i32
    %dma_start3A_121 = tpu.memref_slice %arg17[%dma_start3A_119, %dma_start3A_120] : memref<1024x128xf32, #tpu.memory_space<vmem_shared>> -> memref<1024x128xf32, #tpu.memory_space<vmem_shared>>
    tpu.enqueue_indirect_dma source(%dma_start3A_115 : memref<128x128xf32, #tpu.memory_space<vmem>>) target(%dma_start3A_121 : memref<1024x128xf32, #tpu.memory_space<vmem_shared>>) offsets(%dma_start3A_118 : memref<128xi32, #tpu.memory_space<vmem>>) semaphore(%arg15 : memref<!tpu.dma_semaphore, #tpu.memory_space<semaphore_mem>>) {add = true}
    %dma_start3A_122 = arith.constant 0 : i32
    %dma_start3A_123 = arith.constant 0 : i32
    %dma_start3A_124 = tpu.memref_slice %arg8[%dma_start3A_122, %dma_start3A_123] : memref<4x128xi32, #tpu.memory_space<vmem>> -> memref<1x128xi32, #tpu.memory_space<vmem>>
    %dma_start3A_125 = tpu.memref_squeeze %dma_start3A_124 : memref<1x128xi32, #tpu.memory_space<vmem>> -> memref<128xi32, #tpu.memory_space<vmem>>
    %dma_start3A_126 = arith.constant 0 : i32
    %dma_start3A_127 = arith.constant 0 : i32
    %dma_start3A_128 = tpu.memref_slice %arg18[%dma_start3A_126, %dma_start3A_127] : memref<1024x128xf32, #tpu.memory_space<vmem_shared>> -> memref<1024x128xf32, #tpu.memory_space<vmem_shared>>
    tpu.enqueue_indirect_dma source(%arg9 : memref<128x128xf32, #tpu.memory_space<vmem>>) target(%dma_start3A_128 : memref<1024x128xf32, #tpu.memory_space<vmem_shared>>) offsets(%dma_start3A_125 : memref<128xi32, #tpu.memory_space<vmem>>) semaphore(%arg15 : memref<!tpu.dma_semaphore, #tpu.memory_space<semaphore_mem>>) {add = true}
    %scan3A_129 = arith.constant 0 : i32
    %scan3A_130 = arith.constant 128 : i32
    %scan3A_131 = arith.addi %scan3A_129, %scan3A_130 : i32
    %scan3A_132 = arith.constant 1 : i32
    %scan3A_133 = scf.for %scan3A_322 = %scan3A_129 to %scan3A_131 step %scan3A_132 iter_args(%scan3A_323 = %broadcast_in_dim3A_98) -> (vector<16xf32>)  : i32 {
      %get3A = arith.index_cast %scan3A_322 : i32 to index
      %get3A_324 = arith.constant 0 : index
      %get3A_325 = tpu.vector_load %arg7[%get3A, %get3A_324] {strides = array<i32>} : memref<512x128xf32, #tpu.memory_space<vmem>>, vector<1x16xf32>,
      %get3A_326 = vector.shape_cast %get3A_325 : vector<1x16xf32> to vector<16xf32>
      %mul3A_327 = arith.mulf %get3A_326, %get3A_326 : vector<16xf32>
      %add3A_328 = arith.addf %scan3A_323, %mul3A_327 : vector<16xf32>
      %get3A_329 = arith.index_cast %scan3A_322 : i32 to index
      %get3A_330 = arith.constant 16 : index
      %get3A_331 = tpu.vector_load %arg7[%get3A_329, %get3A_330] {strides = array<i32>} : memref<512x128xf32, #tpu.memory_space<vmem>>, vector<1x16xf32>,
      %get3A_332 = vector.shape_cast %get3A_331 : vector<1x16xf32> to vector<16xf32>
      %mul3A_333 = arith.mulf %get3A_332, %get3A_332 : vector<16xf32>
      %add3A_334 = arith.addf %add3A_328, %mul3A_333 : vector<16xf32>
      %get3A_335 = arith.index_cast %scan3A_322 : i32 to index
      %get3A_336 = arith.constant 32 : index
      %get3A_337 = tpu.vector_load %arg7[%get3A_335, %get3A_336] {strides = array<i32>} : memref<512x128xf32, #tpu.memory_space<vmem>>, vector<1x16xf32>,
      %get3A_338 = vector.shape_cast %get3A_337 : vector<1x16xf32> to vector<16xf32>
      %mul3A_339 = arith.mulf %get3A_338, %get3A_338 : vector<16xf32>
      %add3A_340 = arith.addf %add3A_334, %mul3A_339 : vector<16xf32>
      %get3A_341 = arith.index_cast %scan3A_322 : i32 to index
      %get3A_342 = arith.constant 48 : index
      %get3A_343 = tpu.vector_load %arg7[%get3A_341, %get3A_342] {strides = array<i32>} : memref<512x128xf32, #tpu.memory_space<vmem>>, vector<1x16xf32>,
      %get3A_344 = vector.shape_cast %get3A_343 : vector<1x16xf32> to vector<16xf32>
      %mul3A_345 = arith.mulf %get3A_344, %get3A_344 : vector<16xf32>
      %add3A_346 = arith.addf %add3A_340, %mul3A_345 : vector<16xf32>
      %get3A_347 = arith.index_cast %scan3A_322 : i32 to index
      %get3A_348 = arith.constant 64 : index
      %get3A_349 = tpu.vector_load %arg7[%get3A_347, %get3A_348] {strides = array<i32>} : memref<512x128xf32, #tpu.memory_space<vmem>>, vector<1x16xf32>,
      %get3A_350 = vector.shape_cast %get3A_349 : vector<1x16xf32> to vector<16xf32>
      %mul3A_351 = arith.mulf %get3A_350, %get3A_350 : vector<16xf32>
      %add3A_352 = arith.addf %add3A_346, %mul3A_351 : vector<16xf32>
      %get3A_353 = arith.index_cast %scan3A_322 : i32 to index
      %get3A_354 = arith.constant 80 : index
      %get3A_355 = tpu.vector_load %arg7[%get3A_353, %get3A_354] {strides = array<i32>} : memref<512x128xf32, #tpu.memory_space<vmem>>, vector<1x16xf32>,
      %get3A_356 = vector.shape_cast %get3A_355 : vector<1x16xf32> to vector<16xf32>
      %mul3A_357 = arith.mulf %get3A_356, %get3A_356 : vector<16xf32>
      %add3A_358 = arith.addf %add3A_352, %mul3A_357 : vector<16xf32>
      %get3A_359 = arith.index_cast %scan3A_322 : i32 to index
      %get3A_360 = arith.constant 96 : index
      %get3A_361 = tpu.vector_load %arg7[%get3A_359, %get3A_360] {strides = array<i32>} : memref<512x128xf32, #tpu.memory_space<vmem>>, vector<1x16xf32>,
      %get3A_362 = vector.shape_cast %get3A_361 : vector<1x16xf32> to vector<16xf32>
      %mul3A_363 = arith.mulf %get3A_362, %get3A_362 : vector<16xf32>
      %add3A_364 = arith.addf %add3A_358, %mul3A_363 : vector<16xf32>
      %get3A_365 = arith.index_cast %scan3A_322 : i32 to index
      %get3A_366 = arith.constant 112 : index
      %get3A_367 = tpu.vector_load %arg7[%get3A_365, %get3A_366] {strides = array<i32>} : memref<512x128xf32, #tpu.memory_space<vmem>>, vector<1x16xf32>,
      %get3A_368 = vector.shape_cast %get3A_367 : vector<1x16xf32> to vector<16xf32>
      %mul3A_369 = arith.mulf %get3A_368, %get3A_368 : vector<16xf32>
      %add3A_370 = arith.addf %add3A_364, %mul3A_369 : vector<16xf32>
      scf.yield %add3A_370 : vector<16xf32>
    }
    %scan3A_134 = arith.constant 128 : i32
    %dma_wait3A_135 = arith.constant 1 : i32
    %dma_wait3A_136 = arith.constant 128 : i32
    %dma_wait3A_137 = arith.constant 0 : i32
    %dma_wait3A_138 = tpu.memref_slice %arg7[%dma_wait3A_136, %dma_wait3A_137] : memref<512x128xf32, #tpu.memory_space<vmem>> -> memref<128x128xf32, #tpu.memory_space<vmem>>
    %dma_wait3A_139 = arith.constant 0 : i32
    %dma_wait3A_140 = tpu.memref_slice %arg2[%add3A_20, %dma_wait3A_139] : memref<16384x128xf32, #tpu.memory_space<hbm>> -> memref<128x128xf32, #tpu.memory_space<hbm>>
    %dma_wait3A_141 = tpu.memref_slice %arg14[%dma_wait3A_135] : memref<4x!tpu.dma_semaphore, #tpu.memory_space<semaphore_mem>> -> memref<1x!tpu.dma_semaphore, #tpu.memory_space<semaphore_mem>>
    %dma_wait3A_142 = tpu.memref_squeeze %dma_wait3A_141 : memref<1x!tpu.dma_semaphore, #tpu.memory_space<semaphore_mem>> -> memref<!tpu.dma_semaphore, #tpu.memory_space<semaphore_mem>>
    %dma_wait3A_143 = arith.constant 128 : i32
    %dma_wait3A_144 = arith.constant 0 : i32
    %dma_wait3A_145 = tpu.memref_slice %arg7[%dma_wait3A_143, %dma_wait3A_144] : memref<512x128xf32, #tpu.memory_space<vmem>> -> memref<128x128xf32, #tpu.memory_space<vmem>>
    %dma_wait3A_146 = arith.constant 0 : i32
    %dma_wait3A_147 = tpu.memref_slice %arg2[%add3A_20, %dma_wait3A_146] : memref<16384x128xf32, #tpu.memory_space<hbm>> -> memref<128x128xf32, #tpu.memory_space<hbm>>
    tpu.wait_dma2 semaphore(%dma_wait3A_142 : memref<!tpu.dma_semaphore, #tpu.memory_space<semaphore_mem>>) src(%dma_wait3A_147 : memref<128x128xf32, #tpu.memory_space<hbm>>) dst(%dma_wait3A_145 : memref<128x128xf32, #tpu.memory_space<vmem>>)
    %dma_start3A_148 = arith.constant 1 : i32
    %dma_start3A_149 = arith.constant 128 : i32
    %dma_start3A_150 = arith.constant 0 : i32
    %dma_start3A_151 = tpu.memref_slice %arg7[%dma_start3A_149, %dma_start3A_150] : memref<512x128xf32, #tpu.memory_space<vmem>> -> memref<128x128xf32, #tpu.memory_space<vmem>>
    %dma_start3A_152 = arith.constant 0 : i32
    %dma_start3A_153 = tpu.memref_slice %arg8[%dma_start3A_148, %dma_start3A_152] : memref<4x128xi32, #tpu.memory_space<vmem>> -> memref<1x128xi32, #tpu.memory_space<vmem>>
    %dma_start3A_154 = tpu.memref_squeeze %dma_start3A_153 : memref<1x128xi32, #tpu.memory_space<vmem>> -> memref<128xi32, #tpu.memory_space<vmem>>
    %dma_start3A_155 = arith.constant 0 : i32
    %dma_start3A_156 = arith.constant 0 : i32
    %dma_start3A_157 = tpu.memref_slice %arg17[%dma_start3A_155, %dma_start3A_156] : memref<1024x128xf32, #tpu.memory_space<vmem_shared>> -> memref<1024x128xf32, #tpu.memory_space<vmem_shared>>
    tpu.enqueue_indirect_dma source(%dma_start3A_151 : memref<128x128xf32, #tpu.memory_space<vmem>>) target(%dma_start3A_157 : memref<1024x128xf32, #tpu.memory_space<vmem_shared>>) offsets(%dma_start3A_154 : memref<128xi32, #tpu.memory_space<vmem>>) semaphore(%arg15 : memref<!tpu.dma_semaphore, #tpu.memory_space<semaphore_mem>>) {add = true}
    %dma_start3A_158 = arith.constant 1 : i32
    %dma_start3A_159 = arith.constant 0 : i32
    %dma_start3A_160 = tpu.memref_slice %arg8[%dma_start3A_158, %dma_start3A_159] : memref<4x128xi32, #tpu.memory_space<vmem>> -> memref<1x128xi32, #tpu.memory_space<vmem>>
    %dma_start3A_161 = tpu.memref_squeeze %dma_start3A_160 : memref<1x128xi32, #tpu.memory_space<vmem>> -> memref<128xi32, #tpu.memory_space<vmem>>
    %dma_start3A_162 = arith.constant 0 : i32
    %dma_start3A_163 = arith.constant 0 : i32
    %dma_start3A_164 = tpu.memref_slice %arg18[%dma_start3A_162, %dma_start3A_163] : memref<1024x128xf32, #tpu.memory_space<vmem_shared>> -> memref<1024x128xf32, #tpu.memory_space<vmem_shared>>
    tpu.enqueue_indirect_dma source(%arg9 : memref<128x128xf32, #tpu.memory_space<vmem>>) target(%dma_start3A_164 : memref<1024x128xf32, #tpu.memory_space<vmem_shared>>) offsets(%dma_start3A_161 : memref<128xi32, #tpu.memory_space<vmem>>) semaphore(%arg15 : memref<!tpu.dma_semaphore, #tpu.memory_space<semaphore_mem>>) {add = true}
    %scan3A_165 = arith.constant 128 : i32
    %scan3A_166 = arith.constant 128 : i32
    %scan3A_167 = arith.addi %scan3A_165, %scan3A_166 : i32
    %scan3A_168 = arith.constant 1 : i32
    %scan3A_169 = scf.for %scan3A_322 = %scan3A_165 to %scan3A_167 step %scan3A_168 iter_args(%scan3A_323 = %scan3A_133) -> (vector<16xf32>)  : i32 {
      %get3A = arith.index_cast %scan3A_322 : i32 to index
      %get3A_324 = arith.constant 0 : index
      %get3A_325 = tpu.vector_load %arg7[%get3A, %get3A_324] {strides = array<i32>} : memref<512x128xf32, #tpu.memory_space<vmem>>, vector<1x16xf32>,
      %get3A_326 = vector.shape_cast %get3A_325 : vector<1x16xf32> to vector<16xf32>
      %mul3A_327 = arith.mulf %get3A_326, %get3A_326 : vector<16xf32>
      %add3A_328 = arith.addf %scan3A_323, %mul3A_327 : vector<16xf32>
      %get3A_329 = arith.index_cast %scan3A_322 : i32 to index
      %get3A_330 = arith.constant 16 : index
      %get3A_331 = tpu.vector_load %arg7[%get3A_329, %get3A_330] {strides = array<i32>} : memref<512x128xf32, #tpu.memory_space<vmem>>, vector<1x16xf32>,
      %get3A_332 = vector.shape_cast %get3A_331 : vector<1x16xf32> to vector<16xf32>
      %mul3A_333 = arith.mulf %get3A_332, %get3A_332 : vector<16xf32>
      %add3A_334 = arith.addf %add3A_328, %mul3A_333 : vector<16xf32>
      %get3A_335 = arith.index_cast %scan3A_322 : i32 to index
      %get3A_336 = arith.constant 32 : index
      %get3A_337 = tpu.vector_load %arg7[%get3A_335, %get3A_336] {strides = array<i32>} : memref<512x128xf32, #tpu.memory_space<vmem>>, vector<1x16xf32>,
      %get3A_338 = vector.shape_cast %get3A_337 : vector<1x16xf32> to vector<16xf32>
      %mul3A_339 = arith.mulf %get3A_338, %get3A_338 : vector<16xf32>
      %add3A_340 = arith.addf %add3A_334, %mul3A_339 : vector<16xf32>
      %get3A_341 = arith.index_cast %scan3A_322 : i32 to index
      %get3A_342 = arith.constant 48 : index
      %get3A_343 = tpu.vector_load %arg7[%get3A_341, %get3A_342] {strides = array<i32>} : memref<512x128xf32, #tpu.memory_space<vmem>>, vector<1x16xf32>,
      %get3A_344 = vector.shape_cast %get3A_343 : vector<1x16xf32> to vector<16xf32>
      %mul3A_345 = arith.mulf %get3A_344, %get3A_344 : vector<16xf32>
      %add3A_346 = arith.addf %add3A_340, %mul3A_345 : vector<16xf32>
      %get3A_347 = arith.index_cast %scan3A_322 : i32 to index
      %get3A_348 = arith.constant 64 : index
      %get3A_349 = tpu.vector_load %arg7[%get3A_347, %get3A_348] {strides = array<i32>} : memref<512x128xf32, #tpu.memory_space<vmem>>, vector<1x16xf32>,
      %get3A_350 = vector.shape_cast %get3A_349 : vector<1x16xf32> to vector<16xf32>
      %mul3A_351 = arith.mulf %get3A_350, %get3A_350 : vector<16xf32>
      %add3A_352 = arith.addf %add3A_346, %mul3A_351 : vector<16xf32>
      %get3A_353 = arith.index_cast %scan3A_322 : i32 to index
      %get3A_354 = arith.constant 80 : index
      %get3A_355 = tpu.vector_load %arg7[%get3A_353, %get3A_354] {strides = array<i32>} : memref<512x128xf32, #tpu.memory_space<vmem>>, vector<1x16xf32>,
      %get3A_356 = vector.shape_cast %get3A_355 : vector<1x16xf32> to vector<16xf32>
      %mul3A_357 = arith.mulf %get3A_356, %get3A_356 : vector<16xf32>
      %add3A_358 = arith.addf %add3A_352, %mul3A_357 : vector<16xf32>
      %get3A_359 = arith.index_cast %scan3A_322 : i32 to index
      %get3A_360 = arith.constant 96 : index
      %get3A_361 = tpu.vector_load %arg7[%get3A_359, %get3A_360] {strides = array<i32>} : memref<512x128xf32, #tpu.memory_space<vmem>>, vector<1x16xf32>,
      %get3A_362 = vector.shape_cast %get3A_361 : vector<1x16xf32> to vector<16xf32>
      %mul3A_363 = arith.mulf %get3A_362, %get3A_362 : vector<16xf32>
      %add3A_364 = arith.addf %add3A_358, %mul3A_363 : vector<16xf32>
      %get3A_365 = arith.index_cast %scan3A_322 : i32 to index
      %get3A_366 = arith.constant 112 : index
      %get3A_367 = tpu.vector_load %arg7[%get3A_365, %get3A_366] {strides = array<i32>} : memref<512x128xf32, #tpu.memory_space<vmem>>, vector<1x16xf32>,
      %get3A_368 = vector.shape_cast %get3A_367 : vector<1x16xf32> to vector<16xf32>
      %mul3A_369 = arith.mulf %get3A_368, %get3A_368 : vector<16xf32>
      %add3A_370 = arith.addf %add3A_364, %mul3A_369 : vector<16xf32>
      scf.yield %add3A_370 : vector<16xf32>
    }
    %scan3A_170 = arith.constant 128 : i32
    %dma_wait3A_171 = arith.constant 2 : i32
    %dma_wait3A_172 = arith.constant 256 : i32
    %dma_wait3A_173 = arith.constant 0 : i32
    %dma_wait3A_174 = tpu.memref_slice %arg7[%dma_wait3A_172, %dma_wait3A_173] : memref<512x128xf32, #tpu.memory_space<vmem>> -> memref<128x128xf32, #tpu.memory_space<vmem>>
    %dma_wait3A_175 = arith.constant 0 : i32
    %dma_wait3A_176 = tpu.memref_slice %arg2[%add3A_35, %dma_wait3A_175] : memref<16384x128xf32, #tpu.memory_space<hbm>> -> memref<128x128xf32, #tpu.memory_space<hbm>>
    %dma_wait3A_177 = tpu.memref_slice %arg14[%dma_wait3A_171] : memref<4x!tpu.dma_semaphore, #tpu.memory_space<semaphore_mem>> -> memref<1x!tpu.dma_semaphore, #tpu.memory_space<semaphore_mem>>
    %dma_wait3A_178 = tpu.memref_squeeze %dma_wait3A_177 : memref<1x!tpu.dma_semaphore, #tpu.memory_space<semaphore_mem>> -> memref<!tpu.dma_semaphore, #tpu.memory_space<semaphore_mem>>
    %dma_wait3A_179 = arith.constant 256 : i32
    %dma_wait3A_180 = arith.constant 0 : i32
    %dma_wait3A_181 = tpu.memref_slice %arg7[%dma_wait3A_179, %dma_wait3A_180] : memref<512x128xf32, #tpu.memory_space<vmem>> -> memref<128x128xf32, #tpu.memory_space<vmem>>
    %dma_wait3A_182 = arith.constant 0 : i32
    %dma_wait3A_183 = tpu.memref_slice %arg2[%add3A_35, %dma_wait3A_182] : memref<16384x128xf32, #tpu.memory_space<hbm>> -> memref<128x128xf32, #tpu.memory_space<hbm>>
    tpu.wait_dma2 semaphore(%dma_wait3A_178 : memref<!tpu.dma_semaphore, #tpu.memory_space<semaphore_mem>>) src(%dma_wait3A_183 : memref<128x128xf32, #tpu.memory_space<hbm>>) dst(%dma_wait3A_181 : memref<128x128xf32, #tpu.memory_space<vmem>>)
    %dma_start3A_184 = arith.constant 2 : i32
    %dma_start3A_185 = arith.constant 256 : i32
    %dma_start3A_186 = arith.constant 0 : i32
    %dma_start3A_187 = tpu.memref_slice %arg7[%dma_start3A_185, %dma_start3A_186] : memref<512x128xf32, #tpu.memory_space<vmem>> -> memref<128x128xf32, #tpu.memory_space<vmem>>
    %dma_start3A_188 = arith.constant 0 : i32
    %dma_start3A_189 = tpu.memref_slice %arg8[%dma_start3A_184, %dma_start3A_188] : memref<4x128xi32, #tpu.memory_space<vmem>> -> memref<1x128xi32, #tpu.memory_space<vmem>>
    %dma_start3A_190 = tpu.memref_squeeze %dma_start3A_189 : memref<1x128xi32, #tpu.memory_space<vmem>> -> memref<128xi32, #tpu.memory_space<vmem>>
    %dma_start3A_191 = arith.constant 0 : i32
    %dma_start3A_192 = arith.constant 0 : i32
    %dma_start3A_193 = tpu.memref_slice %arg17[%dma_start3A_191, %dma_start3A_192] : memref<1024x128xf32, #tpu.memory_space<vmem_shared>> -> memref<1024x128xf32, #tpu.memory_space<vmem_shared>>
    tpu.enqueue_indirect_dma source(%dma_start3A_187 : memref<128x128xf32, #tpu.memory_space<vmem>>) target(%dma_start3A_193 : memref<1024x128xf32, #tpu.memory_space<vmem_shared>>) offsets(%dma_start3A_190 : memref<128xi32, #tpu.memory_space<vmem>>) semaphore(%arg15 : memref<!tpu.dma_semaphore, #tpu.memory_space<semaphore_mem>>) {add = true}
    %dma_start3A_194 = arith.constant 2 : i32
    %dma_start3A_195 = arith.constant 0 : i32
    %dma_start3A_196 = tpu.memref_slice %arg8[%dma_start3A_194, %dma_start3A_195] : memref<4x128xi32, #tpu.memory_space<vmem>> -> memref<1x128xi32, #tpu.memory_space<vmem>>
    %dma_start3A_197 = tpu.memref_squeeze %dma_start3A_196 : memref<1x128xi32, #tpu.memory_space<vmem>> -> memref<128xi32, #tpu.memory_space<vmem>>
    %dma_start3A_198 = arith.constant 0 : i32
    %dma_start3A_199 = arith.constant 0 : i32
    %dma_start3A_200 = tpu.memref_slice %arg18[%dma_start3A_198, %dma_start3A_199] : memref<1024x128xf32, #tpu.memory_space<vmem_shared>> -> memref<1024x128xf32, #tpu.memory_space<vmem_shared>>
    tpu.enqueue_indirect_dma source(%arg9 : memref<128x128xf32, #tpu.memory_space<vmem>>) target(%dma_start3A_200 : memref<1024x128xf32, #tpu.memory_space<vmem_shared>>) offsets(%dma_start3A_197 : memref<128xi32, #tpu.memory_space<vmem>>) semaphore(%arg15 : memref<!tpu.dma_semaphore, #tpu.memory_space<semaphore_mem>>) {add = true}
    %scan3A_201 = arith.constant 256 : i32
    %scan3A_202 = arith.constant 128 : i32
    %scan3A_203 = arith.addi %scan3A_201, %scan3A_202 : i32
    %scan3A_204 = arith.constant 1 : i32
    %scan3A_205 = scf.for %scan3A_322 = %scan3A_201 to %scan3A_203 step %scan3A_204 iter_args(%scan3A_323 = %scan3A_169) -> (vector<16xf32>)  : i32 {
      %get3A = arith.index_cast %scan3A_322 : i32 to index
      %get3A_324 = arith.constant 0 : index
      %get3A_325 = tpu.vector_load %arg7[%get3A, %get3A_324] {strides = array<i32>} : memref<512x128xf32, #tpu.memory_space<vmem>>, vector<1x16xf32>,
      %get3A_326 = vector.shape_cast %get3A_325 : vector<1x16xf32> to vector<16xf32>
      %mul3A_327 = arith.mulf %get3A_326, %get3A_326 : vector<16xf32>
      %add3A_328 = arith.addf %scan3A_323, %mul3A_327 : vector<16xf32>
      %get3A_329 = arith.index_cast %scan3A_322 : i32 to index
      %get3A_330 = arith.constant 16 : index
      %get3A_331 = tpu.vector_load %arg7[%get3A_329, %get3A_330] {strides = array<i32>} : memref<512x128xf32, #tpu.memory_space<vmem>>, vector<1x16xf32>,
      %get3A_332 = vector.shape_cast %get3A_331 : vector<1x16xf32> to vector<16xf32>
      %mul3A_333 = arith.mulf %get3A_332, %get3A_332 : vector<16xf32>
      %add3A_334 = arith.addf %add3A_328, %mul3A_333 : vector<16xf32>
      %get3A_335 = arith.index_cast %scan3A_322 : i32 to index
      %get3A_336 = arith.constant 32 : index
      %get3A_337 = tpu.vector_load %arg7[%get3A_335, %get3A_336] {strides = array<i32>} : memref<512x128xf32, #tpu.memory_space<vmem>>, vector<1x16xf32>,
      %get3A_338 = vector.shape_cast %get3A_337 : vector<1x16xf32> to vector<16xf32>
      %mul3A_339 = arith.mulf %get3A_338, %get3A_338 : vector<16xf32>
      %add3A_340 = arith.addf %add3A_334, %mul3A_339 : vector<16xf32>
      %get3A_341 = arith.index_cast %scan3A_322 : i32 to index
      %get3A_342 = arith.constant 48 : index
      %get3A_343 = tpu.vector_load %arg7[%get3A_341, %get3A_342] {strides = array<i32>} : memref<512x128xf32, #tpu.memory_space<vmem>>, vector<1x16xf32>,
      %get3A_344 = vector.shape_cast %get3A_343 : vector<1x16xf32> to vector<16xf32>
      %mul3A_345 = arith.mulf %get3A_344, %get3A_344 : vector<16xf32>
      %add3A_346 = arith.addf %add3A_340, %mul3A_345 : vector<16xf32>
      %get3A_347 = arith.index_cast %scan3A_322 : i32 to index
      %get3A_348 = arith.constant 64 : index
      %get3A_349 = tpu.vector_load %arg7[%get3A_347, %get3A_348] {strides = array<i32>} : memref<512x128xf32, #tpu.memory_space<vmem>>, vector<1x16xf32>,
      %get3A_350 = vector.shape_cast %get3A_349 : vector<1x16xf32> to vector<16xf32>
      %mul3A_351 = arith.mulf %get3A_350, %get3A_350 : vector<16xf32>
      %add3A_352 = arith.addf %add3A_346, %mul3A_351 : vector<16xf32>
      %get3A_353 = arith.index_cast %scan3A_322 : i32 to index
      %get3A_354 = arith.constant 80 : index
      %get3A_355 = tpu.vector_load %arg7[%get3A_353, %get3A_354] {strides = array<i32>} : memref<512x128xf32, #tpu.memory_space<vmem>>, vector<1x16xf32>,
      %get3A_356 = vector.shape_cast %get3A_355 : vector<1x16xf32> to vector<16xf32>
      %mul3A_357 = arith.mulf %get3A_356, %get3A_356 : vector<16xf32>
      %add3A_358 = arith.addf %add3A_352, %mul3A_357 : vector<16xf32>
      %get3A_359 = arith.index_cast %scan3A_322 : i32 to index
      %get3A_360 = arith.constant 96 : index
      %get3A_361 = tpu.vector_load %arg7[%get3A_359, %get3A_360] {strides = array<i32>} : memref<512x128xf32, #tpu.memory_space<vmem>>, vector<1x16xf32>,
      %get3A_362 = vector.shape_cast %get3A_361 : vector<1x16xf32> to vector<16xf32>
      %mul3A_363 = arith.mulf %get3A_362, %get3A_362 : vector<16xf32>
      %add3A_364 = arith.addf %add3A_358, %mul3A_363 : vector<16xf32>
      %get3A_365 = arith.index_cast %scan3A_322 : i32 to index
      %get3A_366 = arith.constant 112 : index
      %get3A_367 = tpu.vector_load %arg7[%get3A_365, %get3A_366] {strides = array<i32>} : memref<512x128xf32, #tpu.memory_space<vmem>>, vector<1x16xf32>,
      %get3A_368 = vector.shape_cast %get3A_367 : vector<1x16xf32> to vector<16xf32>
      %mul3A_369 = arith.mulf %get3A_368, %get3A_368 : vector<16xf32>
      %add3A_370 = arith.addf %add3A_364, %mul3A_369 : vector<16xf32>
      scf.yield %add3A_370 : vector<16xf32>
    }
    %scan3A_206 = arith.constant 128 : i32
    %dma_wait3A_207 = arith.constant 3 : i32
    %dma_wait3A_208 = arith.constant 384 : i32
    %dma_wait3A_209 = arith.constant 0 : i32
    %dma_wait3A_210 = tpu.memref_slice %arg7[%dma_wait3A_208, %dma_wait3A_209] : memref<512x128xf32, #tpu.memory_space<vmem>> -> memref<128x128xf32, #tpu.memory_space<vmem>>
    %dma_wait3A_211 = arith.constant 0 : i32
    %dma_wait3A_212 = tpu.memref_slice %arg2[%add3A_50, %dma_wait3A_211] : memref<16384x128xf32, #tpu.memory_space<hbm>> -> memref<128x128xf32, #tpu.memory_space<hbm>>
    %dma_wait3A_213 = tpu.memref_slice %arg14[%dma_wait3A_207] : memref<4x!tpu.dma_semaphore, #tpu.memory_space<semaphore_mem>> -> memref<1x!tpu.dma_semaphore, #tpu.memory_space<semaphore_mem>>
    %dma_wait3A_214 = tpu.memref_squeeze %dma_wait3A_213 : memref<1x!tpu.dma_semaphore, #tpu.memory_space<semaphore_mem>> -> memref<!tpu.dma_semaphore, #tpu.memory_space<semaphore_mem>>
    %dma_wait3A_215 = arith.constant 384 : i32
    %dma_wait3A_216 = arith.constant 0 : i32
    %dma_wait3A_217 = tpu.memref_slice %arg7[%dma_wait3A_215, %dma_wait3A_216] : memref<512x128xf32, #tpu.memory_space<vmem>> -> memref<128x128xf32, #tpu.memory_space<vmem>>
    %dma_wait3A_218 = arith.constant 0 : i32
    %dma_wait3A_219 = tpu.memref_slice %arg2[%add3A_50, %dma_wait3A_218] : memref<16384x128xf32, #tpu.memory_space<hbm>> -> memref<128x128xf32, #tpu.memory_space<hbm>>
    tpu.wait_dma2 semaphore(%dma_wait3A_214 : memref<!tpu.dma_semaphore, #tpu.memory_space<semaphore_mem>>) src(%dma_wait3A_219 : memref<128x128xf32, #tpu.memory_space<hbm>>) dst(%dma_wait3A_217 : memref<128x128xf32, #tpu.memory_space<vmem>>)
    %dma_start3A_220 = arith.constant 3 : i32
    %dma_start3A_221 = arith.constant 384 : i32
    %dma_start3A_222 = arith.constant 0 : i32
    %dma_start3A_223 = tpu.memref_slice %arg7[%dma_start3A_221, %dma_start3A_222] : memref<512x128xf32, #tpu.memory_space<vmem>> -> memref<128x128xf32, #tpu.memory_space<vmem>>
    %dma_start3A_224 = arith.constant 0 : i32
    %dma_start3A_225 = tpu.memref_slice %arg8[%dma_start3A_220, %dma_start3A_224] : memref<4x128xi32, #tpu.memory_space<vmem>> -> memref<1x128xi32, #tpu.memory_space<vmem>>
    %dma_start3A_226 = tpu.memref_squeeze %dma_start3A_225 : memref<1x128xi32, #tpu.memory_space<vmem>> -> memref<128xi32, #tpu.memory_space<vmem>>
    %dma_start3A_227 = arith.constant 0 : i32
    %dma_start3A_228 = arith.constant 0 : i32
    %dma_start3A_229 = tpu.memref_slice %arg17[%dma_start3A_227, %dma_start3A_228] : memref<1024x128xf32, #tpu.memory_space<vmem_shared>> -> memref<1024x128xf32, #tpu.memory_space<vmem_shared>>
    tpu.enqueue_indirect_dma source(%dma_start3A_223 : memref<128x128xf32, #tpu.memory_space<vmem>>) target(%dma_start3A_229 : memref<1024x128xf32, #tpu.memory_space<vmem_shared>>) offsets(%dma_start3A_226 : memref<128xi32, #tpu.memory_space<vmem>>) semaphore(%arg15 : memref<!tpu.dma_semaphore, #tpu.memory_space<semaphore_mem>>) {add = true}
    %dma_start3A_230 = arith.constant 3 : i32
    %dma_start3A_231 = arith.constant 0 : i32
    %dma_start3A_232 = tpu.memref_slice %arg8[%dma_start3A_230, %dma_start3A_231] : memref<4x128xi32, #tpu.memory_space<vmem>> -> memref<1x128xi32, #tpu.memory_space<vmem>>
    %dma_start3A_233 = tpu.memref_squeeze %dma_start3A_232 : memref<1x128xi32, #tpu.memory_space<vmem>> -> memref<128xi32, #tpu.memory_space<vmem>>
    %dma_start3A_234 = arith.constant 0 : i32
    %dma_start3A_235 = arith.constant 0 : i32
    %dma_start3A_236 = tpu.memref_slice %arg18[%dma_start3A_234, %dma_start3A_235] : memref<1024x128xf32, #tpu.memory_space<vmem_shared>> -> memref<1024x128xf32, #tpu.memory_space<vmem_shared>>
    tpu.enqueue_indirect_dma source(%arg9 : memref<128x128xf32, #tpu.memory_space<vmem>>) target(%dma_start3A_236 : memref<1024x128xf32, #tpu.memory_space<vmem_shared>>) offsets(%dma_start3A_233 : memref<128xi32, #tpu.memory_space<vmem>>) semaphore(%arg15 : memref<!tpu.dma_semaphore, #tpu.memory_space<semaphore_mem>>) {add = true}
    %scan3A_237 = arith.constant 384 : i32
    %scan3A_238 = arith.constant 128 : i32
    %scan3A_239 = arith.addi %scan3A_237, %scan3A_238 : i32
    %scan3A_240 = arith.constant 1 : i32
    %scan3A_241 = scf.for %scan3A_322 = %scan3A_237 to %scan3A_239 step %scan3A_240 iter_args(%scan3A_323 = %scan3A_205) -> (vector<16xf32>)  : i32 {
      %get3A = arith.index_cast %scan3A_322 : i32 to index
      %get3A_324 = arith.constant 0 : index
      %get3A_325 = tpu.vector_load %arg7[%get3A, %get3A_324] {strides = array<i32>} : memref<512x128xf32, #tpu.memory_space<vmem>>, vector<1x16xf32>,
      %get3A_326 = vector.shape_cast %get3A_325 : vector<1x16xf32> to vector<16xf32>
      %mul3A_327 = arith.mulf %get3A_326, %get3A_326 : vector<16xf32>
      %add3A_328 = arith.addf %scan3A_323, %mul3A_327 : vector<16xf32>
      %get3A_329 = arith.index_cast %scan3A_322 : i32 to index
      %get3A_330 = arith.constant 16 : index
      %get3A_331 = tpu.vector_load %arg7[%get3A_329, %get3A_330] {strides = array<i32>} : memref<512x128xf32, #tpu.memory_space<vmem>>, vector<1x16xf32>,
      %get3A_332 = vector.shape_cast %get3A_331 : vector<1x16xf32> to vector<16xf32>
      %mul3A_333 = arith.mulf %get3A_332, %get3A_332 : vector<16xf32>
      %add3A_334 = arith.addf %add3A_328, %mul3A_333 : vector<16xf32>
      %get3A_335 = arith.index_cast %scan3A_322 : i32 to index
      %get3A_336 = arith.constant 32 : index
      %get3A_337 = tpu.vector_load %arg7[%get3A_335, %get3A_336] {strides = array<i32>} : memref<512x128xf32, #tpu.memory_space<vmem>>, vector<1x16xf32>,
      %get3A_338 = vector.shape_cast %get3A_337 : vector<1x16xf32> to vector<16xf32>
      %mul3A_339 = arith.mulf %get3A_338, %get3A_338 : vector<16xf32>
      %add3A_340 = arith.addf %add3A_334, %mul3A_339 : vector<16xf32>
      %get3A_341 = arith.index_cast %scan3A_322 : i32 to index
      %get3A_342 = arith.constant 48 : index
      %get3A_343 = tpu.vector_load %arg7[%get3A_341, %get3A_342] {strides = array<i32>} : memref<512x128xf32, #tpu.memory_space<vmem>>, vector<1x16xf32>,
      %get3A_344 = vector.shape_cast %get3A_343 : vector<1x16xf32> to vector<16xf32>
      %mul3A_345 = arith.mulf %get3A_344, %get3A_344 : vector<16xf32>
      %add3A_346 = arith.addf %add3A_340, %mul3A_345 : vector<16xf32>
      %get3A_347 = arith.index_cast %scan3A_322 : i32 to index
      %get3A_348 = arith.constant 64 : index
      %get3A_349 = tpu.vector_load %arg7[%get3A_347, %get3A_348] {strides = array<i32>} : memref<512x128xf32, #tpu.memory_space<vmem>>, vector<1x16xf32>,
      %get3A_350 = vector.shape_cast %get3A_349 : vector<1x16xf32> to vector<16xf32>
      %mul3A_351 = arith.mulf %get3A_350, %get3A_350 : vector<16xf32>
      %add3A_352 = arith.addf %add3A_346, %mul3A_351 : vector<16xf32>
      %get3A_353 = arith.index_cast %scan3A_322 : i32 to index
      %get3A_354 = arith.constant 80 : index
      %get3A_355 = tpu.vector_load %arg7[%get3A_353, %get3A_354] {strides = array<i32>} : memref<512x128xf32, #tpu.memory_space<vmem>>, vector<1x16xf32>,
      %get3A_356 = vector.shape_cast %get3A_355 : vector<1x16xf32> to vector<16xf32>
      %mul3A_357 = arith.mulf %get3A_356, %get3A_356 : vector<16xf32>
      %add3A_358 = arith.addf %add3A_352, %mul3A_357 : vector<16xf32>
      %get3A_359 = arith.index_cast %scan3A_322 : i32 to index
      %get3A_360 = arith.constant 96 : index
      %get3A_361 = tpu.vector_load %arg7[%get3A_359, %get3A_360] {strides = array<i32>} : memref<512x128xf32, #tpu.memory_space<vmem>>, vector<1x16xf32>,
      %get3A_362 = vector.shape_cast %get3A_361 : vector<1x16xf32> to vector<16xf32>
      %mul3A_363 = arith.mulf %get3A_362, %get3A_362 : vector<16xf32>
      %add3A_364 = arith.addf %add3A_358, %mul3A_363 : vector<16xf32>
      %get3A_365 = arith.index_cast %scan3A_322 : i32 to index
      %get3A_366 = arith.constant 112 : index
      %get3A_367 = tpu.vector_load %arg7[%get3A_365, %get3A_366] {strides = array<i32>} : memref<512x128xf32, #tpu.memory_space<vmem>>, vector<1x16xf32>,
      %get3A_368 = vector.shape_cast %get3A_367 : vector<1x16xf32> to vector<16xf32>
      %mul3A_369 = arith.mulf %get3A_368, %get3A_368 : vector<16xf32>
      %add3A_370 = arith.addf %add3A_364, %mul3A_369 : vector<16xf32>
      scf.yield %add3A_370 : vector<16xf32>
    }
    %scan3A_242 = arith.constant 128 : i32
    %swap3A = arith.constant 0 : index
    %swap3A_243 = tpu.vector_load %arg13[%swap3A] {strides = array<i32>} : memref<16xf32, #tpu.memory_space<vmem>>, vector<16xf32>,
    %swap3A_244 = vector.shape_cast %swap3A_243 : vector<16xf32> to vector<16xf32>
    %swap3A_245 = vector.shape_cast %scan3A_241 : vector<16xf32> to vector<16xf32>
    tpu.vector_store %arg13[%swap3A], %swap3A_245 {strides = array<i32>} : memref<16xf32, #tpu.memory_space<vmem>>, vector<16xf32>,
    "tpu.region"() ({
      %run_scoped3A = tpu.sem_alloc : memref<!tpu.dma_semaphore, #tpu.memory_space<semaphore_mem>>
      %dma_start3A_322 = arith.constant 0 : i32
      %dma_start3A_323 = tpu.memref_slice %arg6[%arg0, %arg1, %dma_start3A_322] : memref<2x16x16xf32, #tpu.memory_space<hbm>> -> memref<1x1x16xf32, #tpu.memory_space<hbm>>
      %dma_start3A_324 = tpu.memref_squeeze %dma_start3A_323 : memref<1x1x16xf32, #tpu.memory_space<hbm>> -> memref<16xf32, #tpu.memory_space<hbm>>
      %dma_start3A_325 = arith.constant 0 : i32
      %dma_start3A_326 = tpu.memref_slice %arg6[%arg0, %arg1, %dma_start3A_325] : memref<2x16x16xf32, #tpu.memory_space<hbm>> -> memref<1x1x16xf32, #tpu.memory_space<hbm>>
      %dma_start3A_327 = tpu.memref_squeeze %dma_start3A_326 : memref<1x1x16xf32, #tpu.memory_space<hbm>> -> memref<16xf32, #tpu.memory_space<hbm>>
      tpu.enqueue_dma source(%arg13 : memref<16xf32, #tpu.memory_space<vmem>>) target(%dma_start3A_327 : memref<16xf32, #tpu.memory_space<hbm>>) target_semaphore(%run_scoped3A : memref<!tpu.dma_semaphore, #tpu.memory_space<semaphore_mem>>)
      %dma_wait3A_328 = arith.constant 0 : i32
      %dma_wait3A_329 = tpu.memref_slice %arg6[%arg0, %arg1, %dma_wait3A_328] : memref<2x16x16xf32, #tpu.memory_space<hbm>> -> memref<1x1x16xf32, #tpu.memory_space<hbm>>
      %dma_wait3A_330 = tpu.memref_squeeze %dma_wait3A_329 : memref<1x1x16xf32, #tpu.memory_space<hbm>> -> memref<16xf32, #tpu.memory_space<hbm>>
      %dma_wait3A_331 = arith.constant 0 : i32
      %dma_wait3A_332 = tpu.memref_slice %arg6[%arg0, %arg1, %dma_wait3A_331] : memref<2x16x16xf32, #tpu.memory_space<hbm>> -> memref<1x1x16xf32, #tpu.memory_space<hbm>>
      %dma_wait3A_333 = tpu.memref_squeeze %dma_wait3A_332 : memref<1x1x16xf32, #tpu.memory_space<hbm>> -> memref<16xf32, #tpu.memory_space<hbm>>
      tpu.wait_dma2 semaphore(%run_scoped3A : memref<!tpu.dma_semaphore, #tpu.memory_space<semaphore_mem>>) src(%arg13 : memref<16xf32, #tpu.memory_space<vmem>>) dst(%dma_wait3A_333 : memref<16xf32, #tpu.memory_space<hbm>>)
      tpu.yield
    }) : () -> ()
    %dma_wait3A_246 = arith.constant 0 : i32
    %dma_wait3A_247 = arith.constant 0 : i32
    %dma_wait3A_248 = arith.constant 0 : i32
    %dma_wait3A_249 = tpu.memref_slice %arg7[%dma_wait3A_247, %dma_wait3A_248] : memref<512x128xf32, #tpu.memory_space<vmem>> -> memref<128x128xf32, #tpu.memory_space<vmem>>
    %dma_wait3A_250 = arith.constant 0 : i32
    %dma_wait3A_251 = tpu.memref_slice %arg8[%dma_wait3A_246, %dma_wait3A_250] : memref<4x128xi32, #tpu.memory_space<vmem>> -> memref<1x128xi32, #tpu.memory_space<vmem>>
    %dma_wait3A_252 = tpu.memref_squeeze %dma_wait3A_251 : memref<1x128xi32, #tpu.memory_space<vmem>> -> memref<128xi32, #tpu.memory_space<vmem>>
    %dma_wait3A_253 = arith.constant 0 : i32
    %dma_wait3A_254 = arith.constant 0 : i32
    %dma_wait3A_255 = tpu.memref_slice %arg17[%dma_wait3A_253, %dma_wait3A_254] : memref<1024x128xf32, #tpu.memory_space<vmem_shared>> -> memref<1024x128xf32, #tpu.memory_space<vmem_shared>>
    tpu.wait_indirect_dma semaphore(%arg15 : memref<!tpu.dma_semaphore, #tpu.memory_space<semaphore_mem>>) src(%dma_wait3A_249 : memref<128x128xf32, #tpu.memory_space<vmem>>) dst(%dma_wait3A_255 : memref<1024x128xf32, #tpu.memory_space<vmem_shared>>)
    %dma_wait3A_256 = arith.constant 0 : i32
    %dma_wait3A_257 = arith.constant 0 : i32
    %dma_wait3A_258 = tpu.memref_slice %arg8[%dma_wait3A_256, %dma_wait3A_257] : memref<4x128xi32, #tpu.memory_space<vmem>> -> memref<1x128xi32, #tpu.memory_space<vmem>>
    %dma_wait3A_259 = tpu.memref_squeeze %dma_wait3A_258 : memref<1x128xi32, #tpu.memory_space<vmem>> -> memref<128xi32, #tpu.memory_space<vmem>>
    %dma_wait3A_260 = arith.constant 0 : i32
    %dma_wait3A_261 = arith.constant 0 : i32
    %dma_wait3A_262 = tpu.memref_slice %arg18[%dma_wait3A_260, %dma_wait3A_261] : memref<1024x128xf32, #tpu.memory_space<vmem_shared>> -> memref<1024x128xf32, #tpu.memory_space<vmem_shared>>
    tpu.wait_indirect_dma semaphore(%arg15 : memref<!tpu.dma_semaphore, #tpu.memory_space<semaphore_mem>>) src(%arg9 : memref<128x128xf32, #tpu.memory_space<vmem>>) dst(%dma_wait3A_262 : memref<1024x128xf32, #tpu.memory_space<vmem_shared>>)
    %dma_wait3A_263 = arith.constant 1 : i32
    %dma_wait3A_264 = arith.constant 128 : i32
    %dma_wait3A_265 = arith.constant 0 : i32
    %dma_wait3A_266 = tpu.memref_slice %arg7[%dma_wait3A_264, %dma_wait3A_265] : memref<512x128xf32, #tpu.memory_space<vmem>> -> memref<128x128xf32, #tpu.memory_space<vmem>>
    %dma_wait3A_267 = arith.constant 0 : i32
    %dma_wait3A_268 = tpu.memref_slice %arg8[%dma_wait3A_263, %dma_wait3A_267] : memref<4x128xi32, #tpu.memory_space<vmem>> -> memref<1x128xi32, #tpu.memory_space<vmem>>
    %dma_wait3A_269 = tpu.memref_squeeze %dma_wait3A_268 : memref<1x128xi32, #tpu.memory_space<vmem>> -> memref<128xi32, #tpu.memory_space<vmem>>
    %dma_wait3A_270 = arith.constant 0 : i32
    %dma_wait3A_271 = arith.constant 0 : i32
    %dma_wait3A_272 = tpu.memref_slice %arg17[%dma_wait3A_270, %dma_wait3A_271] : memref<1024x128xf32, #tpu.memory_space<vmem_shared>> -> memref<1024x128xf32, #tpu.memory_space<vmem_shared>>
    tpu.wait_indirect_dma semaphore(%arg15 : memref<!tpu.dma_semaphore, #tpu.memory_space<semaphore_mem>>) src(%dma_wait3A_266 : memref<128x128xf32, #tpu.memory_space<vmem>>) dst(%dma_wait3A_272 : memref<1024x128xf32, #tpu.memory_space<vmem_shared>>)
    %dma_wait3A_273 = arith.constant 1 : i32
    %dma_wait3A_274 = arith.constant 0 : i32
    %dma_wait3A_275 = tpu.memref_slice %arg8[%dma_wait3A_273, %dma_wait3A_274] : memref<4x128xi32, #tpu.memory_space<vmem>> -> memref<1x128xi32, #tpu.memory_space<vmem>>
    %dma_wait3A_276 = tpu.memref_squeeze %dma_wait3A_275 : memref<1x128xi32, #tpu.memory_space<vmem>> -> memref<128xi32, #tpu.memory_space<vmem>>
    %dma_wait3A_277 = arith.constant 0 : i32
    %dma_wait3A_278 = arith.constant 0 : i32
    %dma_wait3A_279 = tpu.memref_slice %arg18[%dma_wait3A_277, %dma_wait3A_278] : memref<1024x128xf32, #tpu.memory_space<vmem_shared>> -> memref<1024x128xf32, #tpu.memory_space<vmem_shared>>
    tpu.wait_indirect_dma semaphore(%arg15 : memref<!tpu.dma_semaphore, #tpu.memory_space<semaphore_mem>>) src(%arg9 : memref<128x128xf32, #tpu.memory_space<vmem>>) dst(%dma_wait3A_279 : memref<1024x128xf32, #tpu.memory_space<vmem_shared>>)
    %dma_wait3A_280 = arith.constant 2 : i32
    %dma_wait3A_281 = arith.constant 256 : i32
    %dma_wait3A_282 = arith.constant 0 : i32
    %dma_wait3A_283 = tpu.memref_slice %arg7[%dma_wait3A_281, %dma_wait3A_282] : memref<512x128xf32, #tpu.memory_space<vmem>> -> memref<128x128xf32, #tpu.memory_space<vmem>>
    %dma_wait3A_284 = arith.constant 0 : i32
    %dma_wait3A_285 = tpu.memref_slice %arg8[%dma_wait3A_280, %dma_wait3A_284] : memref<4x128xi32, #tpu.memory_space<vmem>> -> memref<1x128xi32, #tpu.memory_space<vmem>>
    %dma_wait3A_286 = tpu.memref_squeeze %dma_wait3A_285 : memref<1x128xi32, #tpu.memory_space<vmem>> -> memref<128xi32, #tpu.memory_space<vmem>>
    %dma_wait3A_287 = arith.constant 0 : i32
    %dma_wait3A_288 = arith.constant 0 : i32
    %dma_wait3A_289 = tpu.memref_slice %arg17[%dma_wait3A_287, %dma_wait3A_288] : memref<1024x128xf32, #tpu.memory_space<vmem_shared>> -> memref<1024x128xf32, #tpu.memory_space<vmem_shared>>
    tpu.wait_indirect_dma semaphore(%arg15 : memref<!tpu.dma_semaphore, #tpu.memory_space<semaphore_mem>>) src(%dma_wait3A_283 : memref<128x128xf32, #tpu.memory_space<vmem>>) dst(%dma_wait3A_289 : memref<1024x128xf32, #tpu.memory_space<vmem_shared>>)
    %dma_wait3A_290 = arith.constant 2 : i32
    %dma_wait3A_291 = arith.constant 0 : i32
    %dma_wait3A_292 = tpu.memref_slice %arg8[%dma_wait3A_290, %dma_wait3A_291] : memref<4x128xi32, #tpu.memory_space<vmem>> -> memref<1x128xi32, #tpu.memory_space<vmem>>
    %dma_wait3A_293 = tpu.memref_squeeze %dma_wait3A_292 : memref<1x128xi32, #tpu.memory_space<vmem>> -> memref<128xi32, #tpu.memory_space<vmem>>
    %dma_wait3A_294 = arith.constant 0 : i32
    %dma_wait3A_295 = arith.constant 0 : i32
    %dma_wait3A_296 = tpu.memref_slice %arg18[%dma_wait3A_294, %dma_wait3A_295] : memref<1024x128xf32, #tpu.memory_space<vmem_shared>> -> memref<1024x128xf32, #tpu.memory_space<vmem_shared>>
    tpu.wait_indirect_dma semaphore(%arg15 : memref<!tpu.dma_semaphore, #tpu.memory_space<semaphore_mem>>) src(%arg9 : memref<128x128xf32, #tpu.memory_space<vmem>>) dst(%dma_wait3A_296 : memref<1024x128xf32, #tpu.memory_space<vmem_shared>>)
    %dma_wait3A_297 = arith.constant 3 : i32
    %dma_wait3A_298 = arith.constant 384 : i32
    %dma_wait3A_299 = arith.constant 0 : i32
    %dma_wait3A_300 = tpu.memref_slice %arg7[%dma_wait3A_298, %dma_wait3A_299] : memref<512x128xf32, #tpu.memory_space<vmem>> -> memref<128x128xf32, #tpu.memory_space<vmem>>
    %dma_wait3A_301 = arith.constant 0 : i32
    %dma_wait3A_302 = tpu.memref_slice %arg8[%dma_wait3A_297, %dma_wait3A_301] : memref<4x128xi32, #tpu.memory_space<vmem>> -> memref<1x128xi32, #tpu.memory_space<vmem>>
    %dma_wait3A_303 = tpu.memref_squeeze %dma_wait3A_302 : memref<1x128xi32, #tpu.memory_space<vmem>> -> memref<128xi32, #tpu.memory_space<vmem>>
    %dma_wait3A_304 = arith.constant 0 : i32
    %dma_wait3A_305 = arith.constant 0 : i32
    %dma_wait3A_306 = tpu.memref_slice %arg17[%dma_wait3A_304, %dma_wait3A_305] : memref<1024x128xf32, #tpu.memory_space<vmem_shared>> -> memref<1024x128xf32, #tpu.memory_space<vmem_shared>>
    tpu.wait_indirect_dma semaphore(%arg15 : memref<!tpu.dma_semaphore, #tpu.memory_space<semaphore_mem>>) src(%dma_wait3A_300 : memref<128x128xf32, #tpu.memory_space<vmem>>) dst(%dma_wait3A_306 : memref<1024x128xf32, #tpu.memory_space<vmem_shared>>)
    %dma_wait3A_307 = arith.constant 3 : i32
    %dma_wait3A_308 = arith.constant 0 : i32
    %dma_wait3A_309 = tpu.memref_slice %arg8[%dma_wait3A_307, %dma_wait3A_308] : memref<4x128xi32, #tpu.memory_space<vmem>> -> memref<1x128xi32, #tpu.memory_space<vmem>>
    %dma_wait3A_310 = tpu.memref_squeeze %dma_wait3A_309 : memref<1x128xi32, #tpu.memory_space<vmem>> -> memref<128xi32, #tpu.memory_space<vmem>>
    %dma_wait3A_311 = arith.constant 0 : i32
    %dma_wait3A_312 = arith.constant 0 : i32
    %dma_wait3A_313 = tpu.memref_slice %arg18[%dma_wait3A_311, %dma_wait3A_312] : memref<1024x128xf32, #tpu.memory_space<vmem_shared>> -> memref<1024x128xf32, #tpu.memory_space<vmem_shared>>
    tpu.wait_indirect_dma semaphore(%arg15 : memref<!tpu.dma_semaphore, #tpu.memory_space<semaphore_mem>>) src(%arg9 : memref<128x128xf32, #tpu.memory_space<vmem>>) dst(%dma_wait3A_313 : memref<1024x128xf32, #tpu.memory_space<vmem_shared>>)
    %barrier3A_314 = arith.constant 0 : index
    tpu.barrier barrier_id(%barrier3A_314)
    "tpu.region"() ({
      %run_scoped3A = tpu.sem_alloc : memref<!tpu.dma_semaphore, #tpu.memory_space<semaphore_mem>>
      %dma_start3A_322 = arith.constant 0 : i32
      %dma_start3A_323 = tpu.memref_slice %arg4[%arg0, %mul3A_4, %dma_start3A_322] : memref<2x1024x128xf32, #tpu.memory_space<hbm>> -> memref<1x64x128xf32, #tpu.memory_space<hbm>>
      %dma_start3A_324 = tpu.memref_squeeze %dma_start3A_323 : memref<1x64x128xf32, #tpu.memory_space<hbm>> -> memref<64x128xf32, #tpu.memory_space<hbm>>
      %dma_start3A_325 = arith.constant 0 : i32
      %dma_start3A_326 = tpu.memref_slice %arg17[%mul3A_4, %dma_start3A_325] : memref<1024x128xf32, #tpu.memory_space<vmem_shared>> -> memref<64x128xf32, #tpu.memory_space<vmem_shared>>
      tpu.enqueue_dma source(%dma_start3A_326 : memref<64x128xf32, #tpu.memory_space<vmem_shared>>) target(%dma_start3A_324 : memref<64x128xf32, #tpu.memory_space<hbm>>) target_semaphore(%run_scoped3A : memref<!tpu.dma_semaphore, #tpu.memory_space<semaphore_mem>>)
      %dma_wait3A_327 = arith.constant 0 : i32
      %dma_wait3A_328 = tpu.memref_slice %arg4[%arg0, %mul3A_4, %dma_wait3A_327] : memref<2x1024x128xf32, #tpu.memory_space<hbm>> -> memref<1x64x128xf32, #tpu.memory_space<hbm>>
      %dma_wait3A_329 = tpu.memref_squeeze %dma_wait3A_328 : memref<1x64x128xf32, #tpu.memory_space<hbm>> -> memref<64x128xf32, #tpu.memory_space<hbm>>
      %dma_wait3A_330 = arith.constant 0 : i32
      %dma_wait3A_331 = tpu.memref_slice %arg17[%mul3A_4, %dma_wait3A_330] : memref<1024x128xf32, #tpu.memory_space<vmem_shared>> -> memref<64x128xf32, #tpu.memory_space<vmem_shared>>
      tpu.wait_dma2 semaphore(%run_scoped3A : memref<!tpu.dma_semaphore, #tpu.memory_space<semaphore_mem>>) src(%dma_wait3A_331 : memref<64x128xf32, #tpu.memory_space<vmem_shared>>) dst(%dma_wait3A_329 : memref<64x128xf32, #tpu.memory_space<hbm>>)
      tpu.yield
    }) : () -> ()
    "tpu.region"() ({
      %run_scoped3A = tpu.sem_alloc : memref<!tpu.dma_semaphore, #tpu.memory_space<semaphore_mem>>
      %dma_start3A_322 = arith.constant 0 : i32
      %dma_start3A_323 = tpu.memref_slice %arg18[%mul3A_4, %dma_start3A_322] : memref<1024x128xf32, #tpu.memory_space<vmem_shared>> -> memref<64x128xf32, #tpu.memory_space<vmem_shared>>
      %dma_start3A_324 = arith.constant 0 : i32
      %dma_start3A_325 = tpu.memref_slice %arg18[%mul3A_4, %dma_start3A_324] : memref<1024x128xf32, #tpu.memory_space<vmem_shared>> -> memref<64x128xf32, #tpu.memory_space<vmem_shared>>
      tpu.enqueue_dma source(%dma_start3A_325 : memref<64x128xf32, #tpu.memory_space<vmem_shared>>) target(%arg12 : memref<64x128xf32, #tpu.memory_space<vmem>>) target_semaphore(%run_scoped3A : memref<!tpu.dma_semaphore, #tpu.memory_space<semaphore_mem>>)
      %dma_wait3A_326 = arith.constant 0 : i32
      %dma_wait3A_327 = tpu.memref_slice %arg18[%mul3A_4, %dma_wait3A_326] : memref<1024x128xf32, #tpu.memory_space<vmem_shared>> -> memref<64x128xf32, #tpu.memory_space<vmem_shared>>
      %dma_wait3A_328 = arith.constant 0 : i32
      %dma_wait3A_329 = tpu.memref_slice %arg18[%mul3A_4, %dma_wait3A_328] : memref<1024x128xf32, #tpu.memory_space<vmem_shared>> -> memref<64x128xf32, #tpu.memory_space<vmem_shared>>
      tpu.wait_dma2 semaphore(%run_scoped3A : memref<!tpu.dma_semaphore, #tpu.memory_space<semaphore_mem>>) src(%dma_wait3A_329 : memref<64x128xf32, #tpu.memory_space<vmem_shared>>) dst(%arg12 : memref<64x128xf32, #tpu.memory_space<vmem>>)
      tpu.yield
    }) : () -> ()
    %scan3A_315 = arith.constant 0 : i32
    %scan3A_316 = arith.constant 0 : i32
    %scan3A_317 = arith.constant 64 : i32
    %scan3A_318 = arith.addi %scan3A_316, %scan3A_317 : i32
    %scan3A_319 = arith.constant 1 : i32
    %scan3A_320 = scf.for %scan3A_322 = %scan3A_316 to %scan3A_318 step %scan3A_319 iter_args(%scan3A_323 = %scan3A_315) -> (i32)  : i32 {
      %get3A = arith.index_cast %scan3A_322 : i32 to index
      %get3A_324 = arith.constant 0 : index
      %get3A_325 = tpu.vector_load %arg12[%get3A, %get3A_324] {strides = array<i32>} : memref<64x128xf32, #tpu.memory_space<vmem>>, vector<1x16xf32>,
      %get3A_326 = vector.shape_cast %get3A_325 : vector<1x16xf32> to vector<16xf32>
      %swap3A_327 = arith.index_cast %scan3A_322 : i32 to index
      %swap3A_328 = arith.constant 0 : index
      %swap3A_329 = tpu.vector_load %arg11[%swap3A_327, %swap3A_328] {strides = array<i32>} : memref<64x16xf32, #tpu.memory_space<vmem>>, vector<1x16xf32>,
      %swap3A_330 = vector.shape_cast %swap3A_329 : vector<1x16xf32> to vector<16xf32>
      %swap3A_331 = vector.shape_cast %get3A_326 : vector<16xf32> to vector<1x16xf32>
      tpu.vector_store %arg11[%swap3A_327, %swap3A_328], %swap3A_331 {strides = array<i32>} : memref<64x16xf32, #tpu.memory_space<vmem>>, vector<1x16xf32>,
      %scan3A_332 = arith.constant 0 : i32
      scf.yield %scan3A_332 : i32
    }
    %scan3A_321 = arith.constant 64 : i32
    "tpu.region"() ({
      %run_scoped3A = tpu.sem_alloc : memref<!tpu.dma_semaphore, #tpu.memory_space<semaphore_mem>>
      %dma_start3A_322 = arith.constant 0 : i32
      %dma_start3A_323 = tpu.memref_slice %arg5[%arg0, %mul3A_4, %dma_start3A_322] : memref<2x1024x16xf32, #tpu.memory_space<hbm>> -> memref<1x64x16xf32, #tpu.memory_space<hbm>>
      %dma_start3A_324 = tpu.memref_squeeze %dma_start3A_323 : memref<1x64x16xf32, #tpu.memory_space<hbm>> -> memref<64x16xf32, #tpu.memory_space<hbm>>
      %dma_start3A_325 = arith.constant 0 : i32
      %dma_start3A_326 = tpu.memref_slice %arg5[%arg0, %mul3A_4, %dma_start3A_325] : memref<2x1024x16xf32, #tpu.memory_space<hbm>> -> memref<1x64x16xf32, #tpu.memory_space<hbm>>
      %dma_start3A_327 = tpu.memref_squeeze %dma_start3A_326 : memref<1x64x16xf32, #tpu.memory_space<hbm>> -> memref<64x16xf32, #tpu.memory_space<hbm>>
      tpu.enqueue_dma source(%arg11 : memref<64x16xf32, #tpu.memory_space<vmem>>) target(%dma_start3A_327 : memref<64x16xf32, #tpu.memory_space<hbm>>) target_semaphore(%run_scoped3A : memref<!tpu.dma_semaphore, #tpu.memory_space<semaphore_mem>>)
      %dma_wait3A_328 = arith.constant 0 : i32
      %dma_wait3A_329 = tpu.memref_slice %arg5[%arg0, %mul3A_4, %dma_wait3A_328] : memref<2x1024x16xf32, #tpu.memory_space<hbm>> -> memref<1x64x16xf32, #tpu.memory_space<hbm>>
      %dma_wait3A_330 = tpu.memref_squeeze %dma_wait3A_329 : memref<1x64x16xf32, #tpu.memory_space<hbm>> -> memref<64x16xf32, #tpu.memory_space<hbm>>
      %dma_wait3A_331 = arith.constant 0 : i32
      %dma_wait3A_332 = tpu.memref_slice %arg5[%arg0, %mul3A_4, %dma_wait3A_331] : memref<2x1024x16xf32, #tpu.memory_space<hbm>> -> memref<1x64x16xf32, #tpu.memory_space<hbm>>
      %dma_wait3A_333 = tpu.memref_squeeze %dma_wait3A_332 : memref<1x64x16xf32, #tpu.memory_space<hbm>> -> memref<64x16xf32, #tpu.memory_space<hbm>>
      tpu.wait_dma2 semaphore(%run_scoped3A : memref<!tpu.dma_semaphore, #tpu.memory_space<semaphore_mem>>) src(%arg11 : memref<64x16xf32, #tpu.memory_space<vmem>>) dst(%dma_wait3A_333 : memref<64x16xf32, #tpu.memory_space<hbm>>)
      tpu.yield
    }) : () -> ()
    return
  }
}

module attributes {stable_mosaic.version = 14 : i64} {
  func.func @_tc_body(%arg0: memref<2x1024x128xf32, #tpu.memory_space<vmem>>, %arg1: memref<2x1024x16xf32, #tpu.memory_space<vmem>>, %arg2: memref<2x16x16xf32, #tpu.memory_space<vmem>>, %arg3: memref<1000x128xf32, #tpu.memory_space<vmem>>, %arg4: memref<1x1xf32, #tpu.memory_space<vmem>>, %arg5: memref<1000x128xf32, #tpu.memory_space<vmem>>) attributes {dimension_semantics = [], scalar_prefetch = 0 : i64, scratch_operands = 0 : i64, tpu.core_type = #tpu.core_type<tc>} {
    %get3A = arith.constant 0 : index
    %get3A_0 = arith.constant 0 : index
    %get3A_1 = arith.constant 0 : index
    %get3A_2 = vector.load %arg0[%get3A, %get3A_0, %get3A_1] : memref<2x1024x128xf32, #tpu.memory_space<vmem>>, vector<1x1024x128xf32>
    %get3A_3 = vector.shape_cast %get3A_2 : vector<1x1024x128xf32> to vector<1024x128xf32>
    %get3A_4 = arith.constant 1 : index
    %get3A_5 = arith.constant 0 : index
    %get3A_6 = arith.constant 0 : index
    %get3A_7 = vector.load %arg0[%get3A_4, %get3A_5, %get3A_6] : memref<2x1024x128xf32, #tpu.memory_space<vmem>>, vector<1x1024x128xf32>
    %get3A_8 = vector.shape_cast %get3A_7 : vector<1x1024x128xf32> to vector<1024x128xf32>
    %add3A = arith.addf %get3A_3, %get3A_8 : vector<1024x128xf32>
    %slice3A = vector.extract_strided_slice %add3A {offsets = [0, 0], sizes = [1000, 128], strides = [1, 1]} : vector<1024x128xf32> to vector<1000x128xf32>
    %get3A_9 = arith.constant 0 : index
    %get3A_10 = arith.constant 0 : index
    %get3A_11 = arith.constant 0 : index
    %get3A_12 = vector.load %arg1[%get3A_9, %get3A_10, %get3A_11] : memref<2x1024x16xf32, #tpu.memory_space<vmem>>, vector<1x1024x16xf32>
    %get3A_13 = vector.shape_cast %get3A_12 : vector<1x1024x16xf32> to vector<1024x16xf32>
    %get3A_14 = arith.constant 1 : index
    %get3A_15 = arith.constant 0 : index
    %get3A_16 = arith.constant 0 : index
    %get3A_17 = vector.load %arg1[%get3A_14, %get3A_15, %get3A_16] : memref<2x1024x16xf32, #tpu.memory_space<vmem>>, vector<1x1024x16xf32>
    %get3A_18 = vector.shape_cast %get3A_17 : vector<1x1024x16xf32> to vector<1024x16xf32>
    %add3A_19 = arith.addf %get3A_13, %get3A_18 : vector<1024x16xf32>
    %slice3A_20 = vector.extract_strided_slice %add3A_19 {offsets = [0, 0], sizes = [1000, 1], strides = [1, 1]} : vector<1024x16xf32> to vector<1000x1xf32>
    %get3A_21 = arith.constant 0 : index
    %get3A_22 = arith.constant 0 : index
    %get3A_23 = vector.load %arg3[%get3A_21, %get3A_22] : memref<1000x128xf32, #tpu.memory_space<vmem>>, vector<1000x128xf32>
    %max3A = arith.constant 1.000000e+00 : f32
    %max3A_24 = vector.broadcast %max3A : f32 to vector<1000x1xf32>
    %max3A_25 = arith.maximumf %slice3A_20, %max3A_24 : vector<1000x1xf32>
    %div3A = vector.broadcast %max3A_25 : vector<1000x1xf32> to vector<1000x128xf32>
    %div3A_26 = arith.divf %slice3A, %div3A : vector<1000x128xf32>
    %gt3A = arith.constant 0.000000e+00 : f32
    %gt3A_27 = vector.broadcast %gt3A : f32 to vector<1000x1xf32>
    %gt3A_28 = arith.cmpf ogt, %slice3A_20, %gt3A_27 : vector<1000x1xf32>
    %mul3A = arith.constant 5.000000e-01 : f32
    %mul3A_29 = vector.broadcast %mul3A : f32 to vector<1000x128xf32>
    %mul3A_30 = arith.mulf %mul3A_29, %get3A_23 : vector<1000x128xf32>
    %mul3A_31 = arith.constant 5.000000e-01 : f32
    %mul3A_32 = vector.broadcast %mul3A_31 : f32 to vector<1000x128xf32>
    %mul3A_33 = arith.mulf %mul3A_32, %div3A_26 : vector<1000x128xf32>
    %add3A_34 = arith.addf %mul3A_30, %mul3A_33 : vector<1000x128xf32>
    %broadcast_in_dim3A = vector.shape_cast %gt3A_28 : vector<1000x1xi1> to vector<1000x1xi1>
    %broadcast_in_dim3A_35 = vector.broadcast %broadcast_in_dim3A : vector<1000x1xi1> to vector<1000x128xi1>
    %select_n3A = arith.select %broadcast_in_dim3A_35, %add3A_34, %get3A_23 : vector<1000x128xi1>, vector<1000x128xf32>
    %swap3A = arith.constant 0 : index
    %swap3A_36 = arith.constant 0 : index
    %swap3A_37 = vector.load %arg5[%swap3A, %swap3A_36] : memref<1000x128xf32, #tpu.memory_space<vmem>>, vector<1000x128xf32>
    tpu.vector_store %arg5[%swap3A, %swap3A_36], %select_n3A {strides = array<i32>} : memref<1000x128xf32, #tpu.memory_space<vmem>>, vector<1000x128xf32>,
    %get3A_38 = arith.constant 0 : index
    %get3A_39 = arith.constant 0 : index
    %get3A_40 = arith.constant 0 : index
    %get3A_41 = vector.load %arg2[%get3A_38, %get3A_39, %get3A_40] : memref<2x16x16xf32, #tpu.memory_space<vmem>>, vector<2x16x16xf32>
    %reduce_sum3A = vector.shape_cast %get3A_41 : vector<2x16x16xf32> to vector<1x2x16x16xf32>
    %reduce_sum3A_42 = arith.constant dense<0.000000e+00> : vector<1xf32>
    %reduce_sum3A_43 = vector.multi_reduction <add>, %reduce_sum3A, %reduce_sum3A_42 [1, 2, 3] : vector<1x2x16x16xf32> to vector<1xf32>
    %reduce_sum3A_44 = vector.shape_cast %reduce_sum3A_43 : vector<1xf32> to vector<1x1x1x1xf32>
    %reduce_sum3A_45 = vector.extract %reduce_sum3A_44[0, 0, 0, 0] : f32 from vector<1x1x1x1xf32>
    %mul3A_46 = arith.mulf %slice3A, %get3A_23 : vector<1000x128xf32>
    %reduce_sum3A_47 = vector.shape_cast %mul3A_46 : vector<1000x128xf32> to vector<1x1000x128xf32>
    %reduce_sum3A_48 = arith.constant dense<0.000000e+00> : vector<1xf32>
    %reduce_sum3A_49 = vector.multi_reduction <add>, %reduce_sum3A_47, %reduce_sum3A_48 [1, 2] : vector<1x1000x128xf32> to vector<1xf32>
    %reduce_sum3A_50 = vector.shape_cast %reduce_sum3A_49 : vector<1xf32> to vector<1x1x1xf32>
    %reduce_sum3A_51 = vector.extract %reduce_sum3A_50[0, 0, 0] : f32 from vector<1x1x1xf32>
    %mul3A_52 = arith.mulf %get3A_23, %get3A_23 : vector<1000x128xf32>
    %reduce_sum3A_53 = arith.constant dense<0.000000e+00> : vector<1000xf32>
    %reduce_sum3A_54 = vector.multi_reduction <add>, %mul3A_52, %reduce_sum3A_53 [1] : vector<1000x128xf32> to vector<1000xf32>
    %broadcast_in_dim3A_55 = vector.shape_cast %reduce_sum3A_54 : vector<1000xf32> to vector<1000x1xf32>
    %mul3A_56 = arith.constant 2.000000e+00 : f32
    %mul3A_57 = arith.mulf %mul3A_56, %reduce_sum3A_51 : f32
    %sub3A = arith.subf %reduce_sum3A_45, %mul3A_57 : f32
    %mul3A_58 = arith.mulf %slice3A_20, %broadcast_in_dim3A_55 : vector<1000x1xf32>
    %reduce_sum3A_59 = vector.shape_cast %mul3A_58 : vector<1000x1xf32> to vector<1x1000x1xf32>
    %reduce_sum3A_60 = arith.constant dense<0.000000e+00> : vector<1xf32>
    %reduce_sum3A_61 = vector.multi_reduction <add>, %reduce_sum3A_59, %reduce_sum3A_60 [1, 2] : vector<1x1000x1xf32> to vector<1xf32>
    %reduce_sum3A_62 = vector.shape_cast %reduce_sum3A_61 : vector<1xf32> to vector<1x1x1xf32>
    %reduce_sum3A_63 = vector.extract %reduce_sum3A_62[0, 0, 0] : f32 from vector<1x1x1xf32>
    %add3A_64 = arith.addf %sub3A, %reduce_sum3A_63 : f32
    %div3A_65 = arith.constant 0x4A000000 : f32
    %div3A_66 = arith.divf %add3A_64, %div3A_65 : f32
    %broadcast_in_dim3A_67 = vector.broadcast %div3A_66 : f32 to vector<1x1xf32>
    %swap3A_68 = arith.constant 0 : index
    %swap3A_69 = arith.constant 0 : index
    %swap3A_70 = vector.load %arg4[%swap3A_68, %swap3A_69] : memref<1x1xf32, #tpu.memory_space<vmem>>, vector<1x1xf32>
    tpu.vector_store %arg4[%swap3A_68, %swap3A_69], %broadcast_in_dim3A_67 {strides = array<i32>} : memref<1x1xf32, #tpu.memory_space<vmem>>, vector<1x1xf32>,
    return
  }
}

</mosaic_0001>

<sc_bundles>
// kernel: center_loss_sc_segment_sum.3.cloned.1.call-start
scs
__scs_entry_jumppad:
0x0: {  	(pc) =	sbr.rel $0x88, $3  }
0x1: {  	(tag) =	ssettag $0x0;
	lr =	simm.s32 $0x1  }
0x2: {  	[smem:$0x3F9E] =	sst lr;
	_ =	strace $0xD0000000  }
0x3: {  	_ = 	snop  }
0x4: {  	_ = 	snop  }
0x5: {  	_ = 	snop  }
0x6: {  	_ = 	snop  }
0x7: {  	_ = 	snop  }
__scs_overlays_trampoline_lowered:
0x8: {  	[smem:$0x3FAD] =	sst s0  }
0x9: {  	[smem:$0x3FAE] =	sst s1  }
0xa: {  	[smem:$0x3FAF] =	sst s2  }
0xb: {  	[smem:$0x3FB0] =	sst s3  }
0xc: {  	[smem:$0x3FB1] =	sst s4  }
0xd: {  	[smem:$0x3FB2] =	sst s5  }
0xe: {  	[smem:$0x3FB3] =	sst s6  }
0xf: {  	[smem:$0x3FB4] =	sst s7  }
0x10: {  	[smem:$0x3FB5] =	sst s8  }
0x11: {  	[smem:$0x3FB6] =	sst s9;
	s0 =	simm.s32 @!p0 $0x0  }
0x12: {  	s1 =	sld [smem:$0x3F9C];
	s0 =	simm.s32 @p0 $0x1  }
0x13: {  	[smem:$0x3FB7] =	sst s0;
	s0 =	simm.s32 @!p1 $0x0  }
0x14: {  	s2 =	sld [smem:$0x3F9B];
	s0 =	simm.s32 @p1 $0x1  }
0x15: {  	[smem:$0x3FB8] =	sst s0;
	s0 =	simm.s32 @!p2 $0x0  }
0x16: {  	s3 =	sld [smem:$0x3FDB];
	s0 =	simm.s32 @p2 $0x1  }
0x17: {  	s4 =	simm.s32 $0x1BF5;
	[smem:$0x3FBA] =	sst s0  }
0x18: {  	s0 =	sld [smem:$0x3F9D];
	_ =	swait.ge [sflag:s4], $0x0  }
0x19: {  	s7 =	sld [smem:$0x3F9E]  }
0x1a: {  	s8 =	sadd.s32 $0xFFFFE003, lr  }
0x1b: {  	s9 =	sadd.s32 $0xFFFFFEF7, lr;
	s5 =	simm.s32 $0xFFFFFFFF;
	p2 =	slt.u32 s8, $0xFFFFF086  }
0x1c: {  	p1 =	slt.u32 s9, $0xF7A;
	s5 =	simm.s32 @!p2 $0x0  }
0x1d: {  	s5 =	simm.s32 @p1 $0x1;
	p0 =	seq.s32 s7, s2  }
0x1e: {  	s7 =	smul.u32 @!p0 $0xF7A, s2;
	p2 =	seq.s32 @!p0 s5, $0x0  }
0x1f: {  	s9 =	smul.u32 $0xF7A, s1;
	s8 =	simm.s32 @!p0 $0x1BF5;
	p2 =	por !p2, p0  }
0x20: {  	[sflag:s8] =	ssyncset.s32 @!p0 $0xFFFFF086;
	s6 =	sadd.s32 @!p0 s3, s7;
	s7 =	simm.s32 @!p0 $0x108  }
0x21: {  	s3 =	sadd.s32 s3, s9;
	s6 =	sadd.s32 @!p0 $0x88, s6;
	s7 =	simm.s32 @p2 $0x1082  }
0x22: {  	[simem:s7], [sflag:s8] =	dma.local @!p0 [hbm:s6], $0xF7A  }
0x23: {  	s9 =	sor.u32 $0xD0000000, s2;
	s6 =	simm.s32 $0x108;
	_ =	swait.ge @!p0 [sflag:s8], $0x0  }
0x24: {  	s3 =	sadd.s32 $0x88, s3;
	s6 =	simm.s32 @!p1 $0x1082;
	[sflag:s4] =	ssyncset.s32 $0xFFFFF086  }
0x25: {  	[simem:s6], [sflag:s4] =	dma.local [hbm:s3], $0xF7A  }
0x26: {  	[smem:$0x3F9E] =	sst s1;
	(tag) =	ssettag s2;
	_ =	strace s9  }
0x27: {  	s1 =	sld [smem:$0x3FAE]  }
0x28: {  	s2 =	sld [smem:$0x3FAF]  }
0x29: {  	s4 =	sld [smem:$0x3FB1]  }
0x2a: {  	p0 =	seq.s32 s5, $0x0;
	s5 =	sld [smem:$0x3FB2]  }
0x2b: {  	s6 =	sld [smem:$0x3FB3]  }
0x2c: {  	s7 =	sld [smem:$0x3FB4]  }
0x2d: {  	s3 =	simm.s32 $0x108;
	s8 =	sld [smem:$0x3FB5]  }
0x2e: {  	s3 =	simm.s32 @!p0 $0x1082;
	s9 =	sld [smem:$0x3FB6]  }
0x2f: {  	lr =	sadd.s32 s0, s3;
	s0 =	sld [smem:$0x3FAD]  }
0x30: {  	s3 =	sld [smem:$0x3FB0]  }
0x31: {  	[smem:$0x3FB9] =	sst s10  }
0x32: {  	s10 =	sld [smem:$0x3FB7];
	_ =	sdelay $0x3  }
0x33: {  	p0 =	seq.s32 s10, $0x1;
	s10 =	sld [smem:$0x3FB9];
	_ =	sdelay $0x3  }
0x34: {  	[smem:$0x3FB9] =	sst s10  }
0x35: {  	s10 =	sld [smem:$0x3FB8];
	_ =	sdelay $0x3  }
0x36: {  	p1 =	seq.s32 s10, $0x1;
	s10 =	sld [smem:$0x3FB9];
	_ =	sdelay $0x3  }
0x37: {  	[smem:$0x3FB9] =	sst s10  }
0x38: {  	s10 =	sld [smem:$0x3FBA]  }
0x39: {  	_ = 	snop;
	(pc) =	sbr.ind lr, $3  }
0x3a: {  	_ = 	snop  }
0x3b: {  	_ = 	snop  }
0x3c: {  	p2 =	seq.s32 s10, $0x1;
	s10 =	sld [smem:$0x3FB9]  }
0x3d: {  	_ =	shalt  }
0x3e: {  	_ =	shalt  }
0x3f: {  	_ =	shalt  }
0x40: {  	_ =	shalt  }
0x41: {  	_ =	shalt  }
0x42: {  	_ =	shalt  }
0x43: {  	_ =	shalt  }
0x44: {  	_ =	shalt  }
0x45: {  	_ =	shalt  }
0x46: {  	_ =	shalt  }
0x47: {  	_ =	shalt  }
0x48: {  	_ =	shalt  }
0x49: {  	_ =	shalt  }
0x4a: {  	_ =	shalt  }
0x4b: {  	_ =	shalt  }
0x4c: {  	_ =	shalt  }
0x4d: {  	_ =	shalt  }
0x4e: {  	_ =	shalt  }
0x4f: {  	_ =	shalt  }
0x50: {  	_ =	shalt  }
0x51: {  	_ =	shalt  }
0x52: {  	_ =	shalt  }
0x53: {  	_ =	shalt  }
0x54: {  	_ =	shalt  }
0x55: {  	_ =	shalt  }
0x56: {  	_ =	shalt  }
0x57: {  	_ =	shalt  }
0x58: {  	_ =	shalt  }
0x59: {  	_ =	shalt  }
0x5a: {  	_ =	shalt  }
0x5b: {  	_ =	shalt  }
0x5c: {  	_ =	shalt  }
0x5d: {  	_ =	shalt  }
0x5e: {  	_ =	shalt  }
0x5f: {  	_ =	shalt  }
0x60: {  	_ =	shalt  }
0x61: {  	_ =	shalt  }
0x62: {  	_ =	shalt  }
0x63: {  	_ =	shalt  }
0x64: {  	_ =	shalt  }
0x65: {  	_ =	shalt  }
0x66: {  	_ =	shalt  }
0x67: {  	_ =	shalt  }
0x68: {  	_ =	shalt  }
0x69: {  	_ =	shalt  }
0x6a: {  	_ =	shalt  }
0x6b: {  	_ =	shalt  }
0x6c: {  	_ =	shalt  }
0x6d: {  	_ =	shalt  }
0x6e: {  	_ =	shalt  }
0x6f: {  	_ =	shalt  }
0x70: {  	_ =	shalt  }
0x71: {  	_ =	shalt  }
0x72: {  	_ =	shalt  }
0x73: {  	_ =	shalt  }
0x74: {  	_ =	shalt  }
0x75: {  	_ =	shalt  }
0x76: {  	_ =	shalt  }
0x77: {  	_ =	shalt  }
0x78: {  	_ =	shalt  }
0x79: {  	_ =	shalt  }
0x7a: {  	_ =	shalt  }
0x7b: {  	_ =	shalt  }
0x7c: {  	_ =	shalt  }
0x7d: {  	_ =	shalt  }
0x7e: {  	_ =	shalt  }
0x7f: {  	_ =	shalt  }
0x80: {  	_ =	shalt  }
0x81: {  	_ =	shalt  }
0x82: {  	_ =	shalt  }
0x83: {  	_ =	shalt  }
0x84: {  	_ =	shalt  }
0x85: {  	_ =	shalt  }
0x86: {  	_ =	shalt  }
0x87: {  	_ =	shalt  }
.Lfunc_end0:
.L_simem_size_0:
called_computation_lowered:
.L_overlay_start_0:
0x88: {  	s2 =	sld [smem:$0x3FD9]  }
0x89: {  	s3 =	sld [smem:$0x3FFE];
	_ =	sdelay $0x1  }
0x8a: {  	s1 =	srdreg.scid  }
0x8b: {  	s0 =	sand.u32 $0x1, s1  }
0x8c: {  	s14 =	sshll.u32 s0, $0xA;
	s2 =	sadd.s32 s3, s2  }
0x8d: {  	s2 =	sadd.s32 s2, s14  }
0x8e: {  	[smem:$0x3FC5] =	sst s2  }
0x8f: {  	_ = 	snop  }
0x90: {  	s2 =	sld [smem:$0x3FD0];
	_ =	sdelay $0x1  }
0x91: {  	s15 =	sld [smem:$0x3FC9]  }
0x92: {  	s5 =	simm.s32 $0xA;
	s6 =	simm.s32 $0x10;
	s4 =	sld [smem:$0x3FC8]  }
0x93: {  	[smem:s6], [sflag:s5] =	dma.local [hbm:s2], $0x1  }
0x94: {  	_ =	swait.eq [sflag:s5], $0x1  }
0x95: {  	[sflag:s5] =	ssyncset.done $0x0  }
0x96: {  	[sflag:s5] =	ssyncadd.s32 $0xFFFFFFFF  }
0x97: {  	s16 =	sld [smem:$0x11];
	(tm) =	ssettm $0x1  }
0x98: {  	s17 =	sld [smem:$0x3FFB];
	_ =	sdelay $0x3  }
0x99: {  	_ =	strace s17  }
0x9a: {  	s5 =	sld [smem:$0x3FFC];
	_ =	sdelay $0x3  }
0x9b: {  	_ =	strace s5  }
0x9c: {  	s5 =	sld [smem:$0x3FFD];
	_ =	sdelay $0x3  }
0x9d: {  	_ =	strace s5  }
0x9e: {  	_ =	strace $0x8FFFFFFF  }
0x9f: {  	s18 =	sld [smem:$0x3FDB];
	_ =	sdelay $0x1  }
0xa0: {  	s19 =	simm.s32 $_scs_section_size  }
0xa1: {  	s7 =	simm.s32 $_size__tile_overlayer_lowered;
	s8 =	simm.s32 $_tile_overlayer_lowered  }
0xa2: {  	s22 =	simm.s32 $0x1BFF;
	s21 =	sshll.u32 s8, $0x1;
	s5 =	sadd.s32 s19, s18  }
0xa3: {  	s9 =	simm.s32 $0x0;
	s20 =	sshll.u32 s7, $0x1;
	s7 =	sadd.s32 s21, s5  }
0xa4: {  	[timem:s9], [sflag:s22] =	dma.local [hbm:s7], s20  }
0xa5: {  	_ =	swait.ge [sflag:s22], s20  }
0xa6: {  	s6 =	ssub.s32 $0x0, s20;
	[sflag:s22] =	ssyncset.done $0x0  }
0xa7: {  	[sflag:s22] =	ssyncadd.s32 s6;
	_ =	sdelay $0x1  }
0xa8: {  	s23 =	simm.s32 $0x1B8B  }
0xa9: {  	_ =	swait.ge [sflag:s23], $0x1  }
0xaa: {  	[sflag:s23] =	ssyncset.done $0x0  }
0xab: {  	s25 =	simm.s32 $0x1B8E;
	s24 =	sld [smem:$0x3FFE];
	[sflag:s23] =	ssyncadd.s32 $0xFFFFFFFF  }
0xac: {  	s26 =	simm.s32 $execute0_lowered;
	[smem:$0x3FD2] =	sst s25  }
0xad: {  	s7 =	sshll.u32 s26, $0x1;
	_ =	strace $0x80000046;
	[dreg:$0x1] =	wrdreg $0xFFFFFFFF  }
0xae: {  	s28 =	simm.s32 $_size_execute0_lowered;
	s5 =	sadd.s32 s5, s7;
	[dreg:$0x0] =	wrdreg $0x0  }
0xaf: {  	s7 =	sshll.u32 s28, $0x1;
	[dreg:$0x2] =	wrdreg s5  }
0xb0: {  	[dreg:$0x3] =	wrdreg s7  }
0xb1: {  	[dreg:$0x4] =	wrdreg $0xC0  }
0xb2: {  	_ =	task [dreg:s9], $0x5FFFF  }
0xb3: {  	[dreg:$0x1] =	wrdreg $0xFFFFFFFF  }
0xb4: {  	[dreg:$0x0] =	wrdreg $0x60  }
0xb5: {  	[dreg:$0x2] =	wrdreg s15  }
0xb6: {  	[dreg:$0x3] =	wrdreg s4  }
0xb7: {  	[dreg:$0x4] =	wrdreg s24  }
0xb8: {  	[dreg:$0x5] =	wrdreg s16  }
0xb9: {  	[dreg:$0x6] =	wrdreg $0x1A2800  }
0xba: {  	[dreg:$0x7] =	wrdreg $0x1C2800  }
0xbb: {  	[dreg:$0x8] =	wrdreg $0x9  }
0xbc: {  	_ =	task.clear_ibuf [dreg:s9], $0x9FFFF;
	_ =	strace $0x90000046  }
0xbd: {  	s29 =	simm.s32 $0x9;
	_ =	strace $0x80000048  }
0xbe: {  	_ =	swait.ge [sflag:s29], $0x1  }
0xbf: {  	[sflag:s29] =	ssyncadd.s32 $0xFFFFFFFF  }
0xc0: {  	_ =	strace $0x90000048  }
0xc1: {  	_ =	sfence  }
0xc2: {  	s30 =	sld [smem:$0x0];
	_ =	sdelay $0x2  }
0xc3: {  	s31 =	sshll.u32 s1, $0xD;
	s1 =	sshrl.u32 s1, $0x2  }
0xc4: {  	s3 =	sand.u32 $0x4000, s31;
	s1 =	sadd.s32 s1, s30  }
0xc5: {  	s0 =	sor.u32 s3, s0;
	s1 =	sshll.u32 s1, $0x11  }
0xc6: {  	s0 =	sor.u32 s1, s0  }
0xc7: {  	s0 =	sadd.s32 $0x8F2B, s0  }
0xc8: {  	[sflag:s0] =	ssyncadd.remote.s32 $0x1  }
0xc9: {  	_ =	sfence.sel $0xFFFF  }
0xca: {  	[dreg:$0x0] =	wrdreg $0xFFFFFFFF;
	(pc) =	sbr.abs _section_cstart, $3  }
0xcb: {  	[dreg:$0x1] =	wrdreg $0xFFFFFFFF  }
0xcc: {  	_ =	task.clear_ibuf [dreg:s9], $0x2FFFF;
	_ =	strace $0x9FFFFFFF  }
0xcd: {  	(tm) =	ssettm $0x7FFFFFFF  }
tec
execute0_lowered:
.L_overlay_start_1:
0x0: {  	(tag) =	ssettag $0x1  }
0x1: {  	s0 =	rddreg [dreg:$0x0]  }
0x2: {  	s3 =	rddreg [dreg:$0x1]  }
0x3: {  	s5 =	rddreg [dreg:$0x2]  }
0x4: {  	s6 =	rddreg [dreg:$0x3]  }
0x5: {  	s1 =	rddreg [dreg:$0x4]  }
0x6: {  	s2 =	rddreg [dreg:$0x5];
	s4 =	simm.s32 $0x0;
	s7 =	srdreg.scid  }
0x7: {  	s14 =	stileid.u32;
	s18 =	simm.s32 $0x8000;
	s19 =	simm.s32 $0xC000  }
0x8: {  	s28 =	simm.s32 $0x2;
	s29 =	simm.s32 $0x10080;
	s30 =	simm.s32 $0x3  }
0x9: {  	s31 =	simm.s32 $0x10100;
	[smem:$0x7FF] =	sst s4;
	s7 =	sand.u32 $0x1, s7  }
0xa: {  	s9 =	sshll.u32 s14, $0xD;
	s24 =	sshll.u32 s14, $0x4;
	_ =	strace $0x80000047  }
0xb: {  	s8 =	sshll.u32 s7, $0x11;
	s10 =	sshll.u32 s7, $0x4;
	s11 =	ssub.s32 $0x2, s7  }
0xc: {  	s25 =	sshll.u32 s7, $0x8;
	s26 =	sadd.s32 s6, s24;
	s24 =	simm.s32 $0x1  }
0xd: {  	s6 =	simm.s32 $0x5;
	s7 =	simm.s32 $0x0;
	s8 =	sor.u32 s9, s8  }
0xe: {  	s10 =	sor.u32 s14, s10;
	s12 =	sshrl.u32 s11, $0x1;
	s8 =	sshrl.u32 s8, $0x3  }
0xf: {  	s13 =	sshll.u32 s10, $0xD;
	s16 =	ssub.s32 s11, s12;
	s22 =	sshll.u32 s10, $0x6  }
0x10: {  	s11 =	sadd.s32 s9, s1;
	s12 =	sadd.s32 s9, s2;
	s15 =	sadd.s32 s8, s5  }
0x11: {  	s5 =	sadd.s32 s0, s13;
	s8 =	sshll.u32 s14, $0x6;
	s13 =	sadd.s32 s25, s26  }
0x12: {  	s16 =	smax.u32 s16, $0x1;
	s25 =	simm.s32 $0x80;
	s0 =	sadd.s32 $0x800, s5  }
0x13: {  	s26 =	simm.s32 $0x10200;
	s20 =	sadd.s32 $0x1000, s5;
	[dreg:$0x7] =	wrdreg s0  }
0x14: {  	s21 =	sadd.s32 $0x1800, s5;
	s23 =	sand.u32 $0x40, s8;
	[dreg:$0x8] =	wrdreg s20  }
0x15: {  	s14 =	sadd.s32 $0x1200, s15;
	s15 =	sadd.s32 $0x9200, s15;
	[dreg:$0x9] =	wrdreg s21  }
0x16: {  	s0 =	sand.u32 $0x780, s22;
	s3 =	sadd.s32 s3, s23;
	s20 =	simm.s32 $0x10000  }
0x17: {  	s21 =	simm.s32 $0x7;
	s22 =	simm.s32 $0x14200;
	s23 =	simm.s32 $0x6  }
0x18: {  	v0 =	vimm.f32 $0.0e+00;
	v1 =	vimm.f32 $1.000000000e+00;
	s10 =	sadd.s32 s0, s3;
	s0 =	simm.s32 $0x4;
	s3 =	simm.s32 $0x10180  }
.LBB2_1:
0x19: {  	[tilespmem:s4], [sflag:$0x1] =	stream.linear.gather [hbm4b:s5+s4], $0x4000, $0x38;
	[tilespmem:$0x1E280] =	vst v63  }
0x1a: {  	s9 =	rddreg [dreg:$0x7];
	s17 =	simm.s32 $0x4000  }
0x1b: {  	[tilespmem:s17], [sflag:$0x2] =	stream.linear.gather [hbm4b:s9+s4], $0x4000, $0x38;
	[tilespmem:$0x1E280] =	vst v63  }
0x1c: {  	s17 =	rddreg [dreg:$0x8]  }
0x1d: {  	[tilespmem:s18], [sflag:$0x3] =	stream.linear.gather [hbm4b:s17+s4], $0x4000, $0x38;
	[tilespmem:$0x1E280] =	vst v63  }
0x1e: {  	s17 =	rddreg [dreg:$0x9]  }
0x1f: {  	[tilespmem:s19], [sflag:$0x4] =	stream.linear.gather [hbm4b:s17+s4], $0x4000, $0x38;
	[tilespmem:$0x1E280] =	vst v63  }
0x20: {  	_ = 	snop  }
0x21: {  	[tilespmem:s20], [sflag:$0x7] =	stream.linear.gather [hbm4b:s10+s4], $0x200, $0x38;
	[tilespmem:$0x1E280] =	vst v63  }
0x22: {  	_ =	swait.ge [sflag:s21], $0x200  }
0x23: {  	[sflag:s21] =	ssyncset.done $0x0  }
0x24: {  	s9 =	simm.s32 $0x0;
	s17 =	simm.s32 $0x200;
	[sflag:s21] =	ssyncadd.s32 $0xFFFFFE00  }
.LBB2_2:
0x25: {  	p0 =	sne.s32 s17, $0x7E00;
	[tilespmem:s9+$0x14270] =	vst v0  }
0x26: {  	[tilespmem:s9+$0x14200] =	vst v0  }
0x27: {  	[tilespmem:s9+$0x14210] =	vst v0  }
.Ltmp0:
0x28: {  	[tilespmem:s9+$0x14220] =	vst v0;
	(pc) =	sbr.rel @p0 .LBB2_2-.Ltmp0, $4  }
0x29: {  	[tilespmem:s9+$0x14230] =	vst v0  }
0x2a: {  	[tilespmem:s9+$0x14240] =	vst v0  }
0x2b: {  	[tilespmem:s9+$0x14250] =	vst v0  }
0x2c: {  	[tilespmem:s9+$0x14260] =	vst v0;
	s9 =	sshra.s32 s17, $0x2;
	s17 =	sadd.s32 $0x200, s17  }
0x2d: {  	[tilespmem:s9+$0x14270] =	vst v0  }
0x2e: {  	[tilespmem:s9+$0x14200] =	vst v0  }
0x2f: {  	[tilespmem:s9+$0x14210] =	vst v0  }
0x30: {  	[tilespmem:s9+$0x14220] =	vst v0  }
0x31: {  	[tilespmem:s9+$0x14230] =	vst v0  }
0x32: {  	[tilespmem:s9+$0x14240] =	vst v0  }
0x33: {  	[tilespmem:s9+$0x14250] =	vst v0  }
0x34: {  	[tilespmem:s9+$0x14260] =	vst v0;
	s9 =	simm.s32 $0x0;
	s17 =	simm.s32 $0x200  }
.LBB2_4:
0x35: {  	p0 =	sne.s32 s17, $0xFE00;
	[tilespmem:s9+$0x10270] =	vst v1  }
0x36: {  	[tilespmem:s9+$0x10200] =	vst v1  }
0x37: {  	[tilespmem:s9+$0x10210] =	vst v1  }
.Ltmp1:
0x38: {  	[tilespmem:s9+$0x10220] =	vst v1;
	(pc) =	sbr.rel @p0 .LBB2_4-.Ltmp1, $4  }
0x39: {  	[tilespmem:s9+$0x10230] =	vst v1  }
0x3a: {  	[tilespmem:s9+$0x10240] =	vst v1  }
0x3b: {  	[tilespmem:s9+$0x10250] =	vst v1  }
0x3c: {  	[tilespmem:s9+$0x10260] =	vst v1;
	s9 =	sshra.s32 s17, $0x2;
	s17 =	sadd.s32 $0x200, s17  }
0x3d: {  	[tilespmem:s9+$0x10270] =	vst v1  }
0x3e: {  	[tilespmem:s9+$0x10200] =	vst v1  }
0x3f: {  	[tilespmem:s9+$0x10210] =	vst v1  }
0x40: {  	[tilespmem:s9+$0x10220] =	vst v1  }
0x41: {  	[tilespmem:s9+$0x10230] =	vst v1  }
0x42: {  	[tilespmem:s9+$0x10240] =	vst v1  }
0x43: {  	[tilespmem:s9+$0x10250] =	vst v1  }
0x44: {  	[tilespmem:s9+$0x10260] =	vst v1  }
0x45: {  	[spmem:s11] =	stream.linear.scatter [tilespmem:s22], [sflag:$0x6], $0x2000, $0x38;
	[tilespmem:$0x1E280] =	vst v63  }
0x46: {  	_ = 	snop  }
0x47: {  	[spmem:s12] =	stream.linear.scatter [tilespmem:s22], [sflag:$0x6], $0x2000, $0x38;
	[tilespmem:$0x1E280] =	vst v63  }
0x48: {  	_ =	swait.ge [sflag:s23], $0x2000  }
0x49: {  	[sflag:s23] =	ssyncset.done $0x0  }
0x4a: {  	[sflag:s23] =	ssyncadd.s32 $0xFFFFE000  }
0x4b: {  	_ =	swait.ge [sflag:s23], $0x2000  }
0x4c: {  	[sflag:s23] =	ssyncset.done $0x0  }
0x4d: {  	[sflag:s23] =	ssyncadd.s32 $0xFFFFE000  }
0x4e: {  	[bflag:$0x0] =	sbarrier.arrive $0xFFFF  }
0x4f: {  	_ =	swait.ge [sflag:s24], $0x4000  }
0x50: {  	[sflag:s24] =	ssyncset.done $0x0  }
0x51: {  	s17 =	simm.s32 $0x0;
	[sflag:s24] =	ssyncadd.s32 $0xFFFFC000  }
0x52: {  	[spmem:s1] =	stream.indirect.scatter.add.f32 [tilespmem:s17], [sflag:$0x5], $0x80, s20, s25, $0xb8;
	[tilespmem:$0x1E280] =	vst v63  }
0x53: {  	s17 =	simm.s32 $0x0  }
0x54: {  	[spmem:s2] =	stream.indirect.scatter.add.f32 [tilespmem:s26], [sflag:$0x5], $0x80, s20, s25, $0xb8;
	[tilespmem:$0x1E280] =	vst v63  }
0x55: {  	v2 =	vld [tilespmem:s17+$0x0];
	_ =	sdelay $0x1  }
0x56: {  	v3 =	vld [tilespmem:s17+$0x10];
	_ =	sdelay $0x1  }
0x57: {  	v4 =	vld [tilespmem:s17+$0x20]  }
0x58: {  	v2 =	vmul.f32 v2, v2  }
0x59: {  	v5 =	vimm.f32 $0.0e+00;
	v6 =	vld [tilespmem:s17+$0x30]  }
0x5a: {  	v3 =	vmul.f32 v3, v3;
	v2 =	vadd.f32 v2, v5;
	_ =	sdelay $0x1  }
0x5b: {  	v5 =	vld [tilespmem:s17+$0x40];
	v2 =	vadd.f32 v3, v2;
	v3 =	vmul.f32 v4, v4;
	_ =	sdelay $0x1  }
0x5c: {  	v7 =	vld [tilespmem:s17+$0x50];
	v2 =	vadd.f32 v3, v2;
	v3 =	vmul.f32 v6, v6;
	_ =	sdelay $0x1  }
0x5d: {  	v4 =	vadd.f32 v3, v2;
	v3 =	vld [tilespmem:s17+$0x60]  }
0x5e: {  	v5 =	vmul.f32 v5, v5  }
0x5f: {  	v2 =	vld [tilespmem:s17+$0x70]  }
0x60: {  	s9 =	simm.s32 $0x80;
	s17 =	simm.s32 $0x400;
	v4 =	vadd.f32 v5, v4;
	v5 =	vmul.f32 v7, v7  }
.LBB2_6:
0x61: {  	p0 =	sne.s32 s17, $0xFE00;
	v6 =	vld [tilespmem:s9+$0x0]  }
0x62: {  	v4 =	vadd.f32 v5, v4;
	v3 =	vmul.f32 v3, v3  }
0x63: {  	v5 =	vld [tilespmem:s9+$0x10]  }
0x64: {  	v3 =	vadd.f32 v3, v4;
	v2 =	vmul.f32 v2, v2  }
0x65: {  	v4 =	vld [tilespmem:s9+$0x20]  }
0x66: {  	v6 =	vmul.f32 v6, v6;
	v2 =	vadd.f32 v2, v3  }
0x67: {  	v3 =	vld [tilespmem:s9+$0x30]  }
0x68: {  	v2 =	vadd.f32 v6, v2;
	v5 =	vmul.f32 v5, v5  }
0x69: {  	v6 =	vld [tilespmem:s9+$0x40]  }
0x6a: {  	v2 =	vadd.f32 v5, v2;
	v4 =	vmul.f32 v4, v4  }
0x6b: {  	v5 =	vld [tilespmem:s9+$0x50]  }
.Ltmp2:
0x6c: {  	v2 =	vadd.f32 v4, v2;
	v4 =	vmul.f32 v3, v3;
	(pc) =	sbr.rel @p0 .LBB2_6-.Ltmp2, $4  }
0x6d: {  	v3 =	vld [tilespmem:s9+$0x60]  }
0x6e: {  	v4 =	vadd.f32 v4, v2;
	v6 =	vmul.f32 v6, v6  }
0x6f: {  	v2 =	vld [tilespmem:s9+$0x70]  }
0x70: {  	s9 =	sshra.s32 s17, $0x2;
	s17 =	sadd.s32 $0x200, s17;
	v4 =	vadd.f32 v6, v4;
	v5 =	vmul.f32 v5, v5  }
0x71: {  	v6 =	vld [tilespmem:s9+$0x0]  }
0x72: {  	v4 =	vadd.f32 v5, v4;
	v3 =	vmul.f32 v3, v3  }
0x73: {  	v5 =	vld [tilespmem:s9+$0x10]  }
0x74: {  	v3 =	vadd.f32 v3, v4;
	v2 =	vmul.f32 v2, v2  }
0x75: {  	v4 =	vld [tilespmem:s9+$0x20]  }
0x76: {  	v6 =	vmul.f32 v6, v6;
	v2 =	vadd.f32 v2, v3  }
0x77: {  	v7 =	vld [tilespmem:s9+$0x30]  }
0x78: {  	v8 =	vld [tilespmem:s9+$0x50];
	v5 =	vmul.f32 v5, v5;
	v2 =	vadd.f32 v6, v2  }
0x79: {  	v3 =	vld [tilespmem:s9+$0x40]  }
0x7a: {  	v9 =	vld [tilespmem:s9+$0x70];
	v4 =	vmul.f32 v4, v4;
	v2 =	vadd.f32 v5, v2  }
0x7b: {  	v6 =	vld [tilespmem:s9+$0x60];
	_ =	swait.ge [sflag:s28], $0x4000  }
0x7c: {  	[sflag:s28] =	ssyncset.done $0x0;
	v2 =	vadd.f32 v4, v2;
	v4 =	vmul.f32 v7, v7  }
0x7d: {  	s17 =	simm.s32 $0x4000;
	[sflag:s28] =	ssyncadd.s32 $0xFFFFC000  }
0x7e: {  	[spmem:s1] =	stream.indirect.scatter.add.f32 [tilespmem:s17], [sflag:$0x5], $0x80, s29, s25, $0xb8;
	v3 =	vmul.f32 v3, v3;
	v2 =	vadd.f32 v4, v2;
	[tilespmem:$0x1E280] =	vst v63  }
0x7f: {  	s17 =	simm.s32 $0x0  }
0x80: {  	[spmem:s2] =	stream.indirect.scatter.add.f32 [tilespmem:s26], [sflag:$0x5], $0x80, s29, s25, $0xb8;
	v2 =	vadd.f32 v3, v2;
	v3 =	vmul.f32 v8, v8;
	[tilespmem:$0x1E280] =	vst v63  }
0x81: {  	v4 =	vld [tilespmem:s17+$0x4000]  }
0x82: {  	v2 =	vadd.f32 v3, v2;
	v3 =	vmul.f32 v6, v6  }
0x83: {  	v5 =	vld [tilespmem:s17+$0x4010]  }
0x84: {  	v2 =	vadd.f32 v3, v2;
	v3 =	vmul.f32 v9, v9  }
0x85: {  	v6 =	vld [tilespmem:s17+$0x4020]  }
0x86: {  	v2 =	vadd.f32 v3, v2;
	v3 =	vmul.f32 v4, v4  }
0x87: {  	v4 =	vld [tilespmem:s17+$0x4030]  }
0x88: {  	v2 =	vadd.f32 v3, v2;
	v3 =	vmul.f32 v5, v5;
	_ =	sdelay $0x1  }
0x89: {  	v5 =	vld [tilespmem:s17+$0x4040];
	v2 =	vadd.f32 v3, v2;
	v3 =	vmul.f32 v6, v6;
	_ =	sdelay $0x1  }
0x8a: {  	v6 =	vld [tilespmem:s17+$0x4050];
	v2 =	vadd.f32 v3, v2;
	v3 =	vmul.f32 v4, v4;
	_ =	sdelay $0x1  }
0x8b: {  	v4 =	vadd.f32 v3, v2;
	v3 =	vld [tilespmem:s17+$0x4060]  }
0x8c: {  	v5 =	vmul.f32 v5, v5  }
0x8d: {  	v2 =	vld [tilespmem:s17+$0x4070]  }
0x8e: {  	s9 =	simm.s32 $0x80;
	s17 =	simm.s32 $0x400;
	v4 =	vadd.f32 v5, v4;
	v5 =	vmul.f32 v6, v6  }
.LBB2_8:
0x8f: {  	p0 =	sne.s32 s17, $0xFE00;
	v6 =	vld [tilespmem:s9+$0x4000]  }
0x90: {  	v4 =	vadd.f32 v5, v4;
	v3 =	vmul.f32 v3, v3  }
0x91: {  	v5 =	vld [tilespmem:s9+$0x4010]  }
0x92: {  	v3 =	vadd.f32 v3, v4;
	v2 =	vmul.f32 v2, v2  }
0x93: {  	v4 =	vld [tilespmem:s9+$0x4020]  }
0x94: {  	v6 =	vmul.f32 v6, v6;
	v2 =	vadd.f32 v2, v3  }
0x95: {  	v3 =	vld [tilespmem:s9+$0x4030]  }
0x96: {  	v2 =	vadd.f32 v6, v2;
	v5 =	vmul.f32 v5, v5  }
0x97: {  	v6 =	vld [tilespmem:s9+$0x4040]  }
0x98: {  	v2 =	vadd.f32 v5, v2;
	v4 =	vmul.f32 v4, v4  }
0x99: {  	v5 =	vld [tilespmem:s9+$0x4050]  }
.Ltmp3:
0x9a: {  	v2 =	vadd.f32 v4, v2;
	v4 =	vmul.f32 v3, v3;
	(pc) =	sbr.rel @p0 .LBB2_8-.Ltmp3, $4  }
0x9b: {  	v3 =	vld [tilespmem:s9+$0x4060]  }
0x9c: {  	v4 =	vadd.f32 v4, v2;
	v6 =	vmul.f32 v6, v6  }
0x9d: {  	v2 =	vld [tilespmem:s9+$0x4070]  }
0x9e: {  	s9 =	sshra.s32 s17, $0x2;
	s17 =	sadd.s32 $0x200, s17;
	v4 =	vadd.f32 v6, v4;
	v5 =	vmul.f32 v5, v5  }
0x9f: {  	v6 =	vld [tilespmem:s9+$0x4000]  }
0xa0: {  	v4 =	vadd.f32 v5, v4;
	v3 =	vmul.f32 v3, v3  }
0xa1: {  	v5 =	vld [tilespmem:s9+$0x4010]  }
0xa2: {  	v3 =	vadd.f32 v3, v4;
	v2 =	vmul.f32 v2, v2  }
0xa3: {  	v4 =	vld [tilespmem:s9+$0x4020]  }
0xa4: {  	v6 =	vmul.f32 v6, v6;
	v2 =	vadd.f32 v2, v3  }
0xa5: {  	v7 =	vld [tilespmem:s9+$0x4030]  }
0xa6: {  	v8 =	vld [tilespmem:s9+$0x4050];
	v5 =	vmul.f32 v5, v5;
	v2 =	vadd.f32 v6, v2  }
0xa7: {  	v3 =	vld [tilespmem:s9+$0x4040]  }
0xa8: {  	v9 =	vld [tilespmem:s9+$0x4070];
	v4 =	vmul.f32 v4, v4;
	v2 =	vadd.f32 v5, v2  }
0xa9: {  	v6 =	vld [tilespmem:s9+$0x4060];
	_ =	swait.ge [sflag:s30], $0x4000  }
0xaa: {  	[sflag:s30] =	ssyncset.done $0x0;
	v2 =	vadd.f32 v4, v2;
	v4 =	vmul.f32 v7, v7  }
0xab: {  	[sflag:s30] =	ssyncadd.s32 $0xFFFFC000  }
0xac: {  	[spmem:s1] =	stream.indirect.scatter.add.f32 [tilespmem:s18], [sflag:$0x5], $0x80, s31, s25, $0xb8;
	v3 =	vmul.f32 v3, v3;
	v2 =	vadd.f32 v4, v2;
	[tilespmem:$0x1E280] =	vst v63  }
0xad: {  	s17 =	simm.s32 $0x0  }
0xae: {  	[spmem:s2] =	stream.indirect.scatter.add.f32 [tilespmem:s26], [sflag:$0x5], $0x80, s31, s25, $0xb8;
	v2 =	vadd.f32 v3, v2;
	v3 =	vmul.f32 v8, v8;
	[tilespmem:$0x1E280] =	vst v63  }
0xaf: {  	v4 =	vld [tilespmem:s17+$0x8000]  }
0xb0: {  	v2 =	vadd.f32 v3, v2;
	v3 =	vmul.f32 v6, v6  }
0xb1: {  	v5 =	vld [tilespmem:s17+$0x8010]  }
0xb2: {  	v2 =	vadd.f32 v3, v2;
	v3 =	vmul.f32 v9, v9  }
0xb3: {  	v6 =	vld [tilespmem:s17+$0x8020]  }
0xb4: {  	v2 =	vadd.f32 v3, v2;
	v3 =	vmul.f32 v4, v4  }
0xb5: {  	v4 =	vld [tilespmem:s17+$0x8030]  }
0xb6: {  	v2 =	vadd.f32 v3, v2;
	v3 =	vmul.f32 v5, v5;
	_ =	sdelay $0x1  }
0xb7: {  	v5 =	vld [tilespmem:s17+$0x8040];
	v2 =	vadd.f32 v3, v2;
	v3 =	vmul.f32 v6, v6;
	_ =	sdelay $0x1  }
0xb8: {  	v6 =	vld [tilespmem:s17+$0x8050];
	v2 =	vadd.f32 v3, v2;
	v3 =	vmul.f32 v4, v4;
	_ =	sdelay $0x1  }
0xb9: {  	v4 =	vadd.f32 v3, v2;
	v3 =	vld [tilespmem:s17+$0x8060]  }
0xba: {  	v5 =	vmul.f32 v5, v5  }
0xbb: {  	v2 =	vld [tilespmem:s17+$0x8070]  }
0xbc: {  	s9 =	simm.s32 $0x80;
	s17 =	simm.s32 $0x400;
	v4 =	vadd.f32 v5, v4;
	v5 =	vmul.f32 v6, v6  }
.LBB2_10:
0xbd: {  	p0 =	sne.s32 s17, $0xFE00;
	v6 =	vld [tilespmem:s9+$0x8000]  }
0xbe: {  	v4 =	vadd.f32 v5, v4;
	v3 =	vmul.f32 v3, v3  }
0xbf: {  	v5 =	vld [tilespmem:s9+$0x8010]  }
0xc0: {  	v3 =	vadd.f32 v3, v4;
	v2 =	vmul.f32 v2, v2  }
0xc1: {  	v4 =	vld [tilespmem:s9+$0x8020]  }
0xc2: {  	v6 =	vmul.f32 v6, v6;
	v2 =	vadd.f32 v2, v3  }
0xc3: {  	v3 =	vld [tilespmem:s9+$0x8030]  }
0xc4: {  	v2 =	vadd.f32 v6, v2;
	v5 =	vmul.f32 v5, v5  }
0xc5: {  	v6 =	vld [tilespmem:s9+$0x8040]  }
0xc6: {  	v2 =	vadd.f32 v5, v2;
	v4 =	vmul.f32 v4, v4  }
0xc7: {  	v5 =	vld [tilespmem:s9+$0x8050]  }
.Ltmp4:
0xc8: {  	v2 =	vadd.f32 v4, v2;
	v4 =	vmul.f32 v3, v3;
	(pc) =	sbr.rel @p0 .LBB2_10-.Ltmp4, $4  }
0xc9: {  	v3 =	vld [tilespmem:s9+$0x8060]  }
0xca: {  	v4 =	vadd.f32 v4, v2;
	v6 =	vmul.f32 v6, v6  }
0xcb: {  	v2 =	vld [tilespmem:s9+$0x8070]  }
0xcc: {  	s9 =	sshra.s32 s17, $0x2;
	s17 =	sadd.s32 $0x200, s17;
	v4 =	vadd.f32 v6, v4;
	v5 =	vmul.f32 v5, v5  }
0xcd: {  	v6 =	vld [tilespmem:s9+$0x8000]  }
0xce: {  	v4 =	vadd.f32 v5, v4;
	v3 =	vmul.f32 v3, v3  }
0xcf: {  	v5 =	vld [tilespmem:s9+$0x8010]  }
0xd0: {  	v3 =	vadd.f32 v3, v4;
	v2 =	vmul.f32 v2, v2  }
0xd1: {  	v4 =	vld [tilespmem:s9+$0x8020]  }
0xd2: {  	v6 =	vmul.f32 v6, v6;
	v2 =	vadd.f32 v2, v3  }
0xd3: {  	v7 =	vld [tilespmem:s9+$0x8030]  }
0xd4: {  	v8 =	vld [tilespmem:s9+$0x8050];
	v5 =	vmul.f32 v5, v5;
	v2 =	vadd.f32 v6, v2  }
0xd5: {  	v3 =	vld [tilespmem:s9+$0x8040]  }
0xd6: {  	v9 =	vld [tilespmem:s9+$0x8070];
	v4 =	vmul.f32 v4, v4;
	v2 =	vadd.f32 v5, v2  }
0xd7: {  	v6 =	vld [tilespmem:s9+$0x8060];
	_ =	swait.ge [sflag:s0], $0x4000  }
0xd8: {  	[sflag:s0] =	ssyncset.done $0x0;
	v2 =	vadd.f32 v4, v2;
	v4 =	vmul.f32 v7, v7  }
0xd9: {  	[sflag:s0] =	ssyncadd.s32 $0xFFFFC000  }
0xda: {  	[spmem:s1] =	stream.indirect.scatter.add.f32 [tilespmem:s19], [sflag:$0x5], $0x80, s3, s25, $0xb8;
	v3 =	vmul.f32 v3, v3;
	v2 =	vadd.f32 v4, v2;
	[tilespmem:$0x1E280] =	vst v63  }
0xdb: {  	s17 =	simm.s32 $0x0  }
0xdc: {  	[spmem:s2] =	stream.indirect.scatter.add.f32 [tilespmem:s26], [sflag:$0x5], $0x80, s3, s25, $0xb8;
	v2 =	vadd.f32 v3, v2;
	v3 =	vmul.f32 v8, v8;
	[tilespmem:$0x1E280] =	vst v63  }
0xdd: {  	v4 =	vld [tilespmem:s17+$0xC000]  }
0xde: {  	v2 =	vadd.f32 v3, v2;
	v3 =	vmul.f32 v6, v6  }
0xdf: {  	v5 =	vld [tilespmem:s17+$0xC010]  }
0xe0: {  	v2 =	vadd.f32 v3, v2;
	v3 =	vmul.f32 v9, v9  }
0xe1: {  	v6 =	vld [tilespmem:s17+$0xC020]  }
0xe2: {  	v2 =	vadd.f32 v3, v2;
	v3 =	vmul.f32 v4, v4  }
0xe3: {  	v4 =	vld [tilespmem:s17+$0xC030]  }
0xe4: {  	v2 =	vadd.f32 v3, v2;
	v3 =	vmul.f32 v5, v5;
	_ =	sdelay $0x1  }
0xe5: {  	v5 =	vld [tilespmem:s17+$0xC040];
	v2 =	vadd.f32 v3, v2;
	v3 =	vmul.f32 v6, v6;
	_ =	sdelay $0x1  }
0xe6: {  	v6 =	vld [tilespmem:s17+$0xC050];
	v2 =	vadd.f32 v3, v2;
	v3 =	vmul.f32 v4, v4;
	_ =	sdelay $0x1  }
0xe7: {  	v4 =	vadd.f32 v3, v2;
	v3 =	vld [tilespmem:s17+$0xC060]  }
0xe8: {  	v5 =	vmul.f32 v5, v5  }
0xe9: {  	v2 =	vld [tilespmem:s17+$0xC070]  }
0xea: {  	s9 =	simm.s32 $0x80;
	s17 =	simm.s32 $0x400;
	v4 =	vadd.f32 v5, v4;
	v5 =	vmul.f32 v6, v6  }
.LBB2_12:
0xeb: {  	p0 =	sne.s32 s17, $0xFE00;
	v6 =	vld [tilespmem:s9+$0xC000]  }
0xec: {  	v4 =	vadd.f32 v5, v4;
	v3 =	vmul.f32 v3, v3  }
0xed: {  	v5 =	vld [tilespmem:s9+$0xC010]  }
0xee: {  	v3 =	vadd.f32 v3, v4;
	v2 =	vmul.f32 v2, v2  }
0xef: {  	v4 =	vld [tilespmem:s9+$0xC020]  }
0xf0: {  	v6 =	vmul.f32 v6, v6;
	v2 =	vadd.f32 v2, v3  }
0xf1: {  	v3 =	vld [tilespmem:s9+$0xC030]  }
0xf2: {  	v2 =	vadd.f32 v6, v2;
	v5 =	vmul.f32 v5, v5  }
0xf3: {  	v6 =	vld [tilespmem:s9+$0xC040]  }
0xf4: {  	v2 =	vadd.f32 v5, v2;
	v4 =	vmul.f32 v4, v4  }
0xf5: {  	v5 =	vld [tilespmem:s9+$0xC050]  }
.Ltmp5:
0xf6: {  	v2 =	vadd.f32 v4, v2;
	v4 =	vmul.f32 v3, v3;
	(pc) =	sbr.rel @p0 .LBB2_12-.Ltmp5, $4  }
0xf7: {  	v3 =	vld [tilespmem:s9+$0xC060]  }
0xf8: {  	v4 =	vadd.f32 v4, v2;
	v6 =	vmul.f32 v6, v6  }
0xf9: {  	v2 =	vld [tilespmem:s9+$0xC070]  }
0xfa: {  	s9 =	sshra.s32 s17, $0x2;
	s17 =	sadd.s32 $0x200, s17;
	v4 =	vadd.f32 v6, v4;
	v5 =	vmul.f32 v5, v5  }
0xfb: {  	v6 =	vld [tilespmem:s9+$0xC000]  }
0xfc: {  	v4 =	vadd.f32 v5, v4;
	v3 =	vmul.f32 v3, v3  }
0xfd: {  	v58 =	vld [tilespmem:s9+$0xC010]  }
0xfe: {  	v3 =	vadd.f32 v3, v4;
	v2 =	vmul.f32 v2, v2  }
0xff: {  	v59 =	vld [tilespmem:s9+$0xC020]  }
0x100: {  	v6 =	vmul.f32 v6, v6;
	v2 =	vadd.f32 v2, v3  }
0x101: {  	v3 =	vld [tilespmem:s9+$0xC030]  }
0x102: {  	v5 =	vmul.f32 v58, v58;
	v2 =	vadd.f32 v6, v2  }
0x103: {  	v60 =	vld [tilespmem:s9+$0xC040]  }
0x104: {  	v4 =	vmul.f32 v59, v59;
	v2 =	vadd.f32 v5, v2  }
0x105: {  	v61 =	vld [tilespmem:s9+$0xC050]  }
0x106: {  	v3 =	vmul.f32 v3, v3;
	v2 =	vadd.f32 v4, v2  }
0x107: {  	v62 =	vld [tilespmem:s9+$0xC060]  }
0x108: {  	v2 =	vadd.f32 v3, v2;
	v3 =	vmul.f32 v60, v60  }
0x109: {  	v63 =	vld [tilespmem:s9+$0xC070]  }
0x10a: {  	v2 =	vadd.f32 v3, v2;
	v3 =	vmul.f32 v61, v61;
	_ =	sdelay $0x1  }
0x10b: {  	v2 =	vadd.f32 v3, v2;
	v3 =	vmul.f32 v62, v62;
	_ =	sdelay $0x1  }
0x10c: {  	v2 =	vadd.f32 v3, v2;
	v3 =	vmul.f32 v63, v63;
	_ =	sdelay $0x1  }
0x10d: {  	v2 =	vadd.f32 v3, v2;
	_ =	sdelay $0x1  }
0x10e: {  	s17 =	simm.s32 $0x1A200;
	s9 =	simm.s32 $0x0;
	[tilespmem:$0x1A200] =	vst v2  }
0x10f: {  	[hbm4b:s13+s9] =	stream.linear.scatter [tilespmem:s17], [sflag:$0x7], $0x80, $0x38;
	[tilespmem:$0x1E280] =	vst v63  }
0x110: {  	_ =	swait.ge [sflag:s21], $0x80  }
0x111: {  	[sflag:s21] =	ssyncset.done $0x0  }
0x112: {  	[sflag:s21] =	ssyncadd.s32 $0xFFFFFF80  }
0x113: {  	_ =	swait.ge [sflag:s6], $0x4000  }
0x114: {  	[sflag:s6] =	ssyncset.done $0x0  }
0x115: {  	[sflag:s6] =	ssyncadd.s32 $0xFFFFC000  }
0x116: {  	_ =	swait.ge [sflag:s6], $0x4000  }
0x117: {  	[sflag:s6] =	ssyncset.done $0x0  }
0x118: {  	[sflag:s6] =	ssyncadd.s32 $0xFFFFC000  }
0x119: {  	_ =	swait.ge [sflag:s6], $0x4000  }
0x11a: {  	[sflag:s6] =	ssyncset.done $0x0  }
0x11b: {  	[sflag:s6] =	ssyncadd.s32 $0xFFFFC000  }
0x11c: {  	_ =	swait.ge [sflag:s6], $0x4000  }
0x11d: {  	[sflag:s6] =	ssyncset.done $0x0  }
0x11e: {  	[sflag:s6] =	ssyncadd.s32 $0xFFFFC000  }
0x11f: {  	_ =	swait.ge [sflag:s6], $0x4000  }
0x120: {  	[sflag:s6] =	ssyncset.done $0x0  }
0x121: {  	[sflag:s6] =	ssyncadd.s32 $0xFFFFC000  }
0x122: {  	_ =	swait.ge [sflag:s6], $0x4000  }
0x123: {  	[sflag:s6] =	ssyncset.done $0x0  }
0x124: {  	[sflag:s6] =	ssyncadd.s32 $0xFFFFC000  }
0x125: {  	_ =	swait.ge [sflag:s6], $0x4000  }
0x126: {  	[sflag:s6] =	ssyncset.done $0x0  }
0x127: {  	[sflag:s6] =	ssyncadd.s32 $0xFFFFC000  }
0x128: {  	_ =	swait.ge [sflag:s6], $0x4000  }
0x129: {  	[sflag:s6] =	ssyncset.done $0x0  }
0x12a: {  	[sflag:s6] =	ssyncadd.s32 $0xFFFFC000  }
0x12b: {  	s9 =	sor.u32 $0x1C07, s8;
	s17 =	sshrl.u32 s11, $0x3;
	[bflag:$0x0] =	sbarrier.arrive $0xFFFF  }
0x12c: {  	[hbm:s14], [sflag:s9] =	dma.local [spmem:s17], $0x400  }
0x12d: {  	_ =	swait.ge [sflag:s21], $0x400  }
0x12e: {  	[sflag:s21] =	ssyncset.done $0x0  }
0x12f: {  	s17 =	simm.s32 $0x18200;
	[sflag:s21] =	ssyncadd.s32 $0xFFFFFC00  }
0x130: {  	[tilespmem:s17], [sflag:$0x7] =	stream.linear.gather [spmem:s12], $0x2000, $0x38;
	[tilespmem:$0x1E280] =	vst v63  }
0x131: {  	_ =	swait.ge [sflag:s21], $0x2000  }
0x132: {  	[sflag:s21] =	ssyncset.done $0x0  }
0x133: {  	s9 =	simm.s32 $0x0;
	[sflag:s21] =	ssyncadd.s32 $0xFFFFE000  }
0x134: {  	s17 =	simm.s32 $0x200;
	v2 =	vld [tilespmem:s9+$0x18200]  }
.LBB2_14:
0x135: {  	p0 =	sne.s32 s17, $0x7E00  }
.Ltmp6:
0x136: {  	_ = 	snop;
	(pc) =	sbr.rel @p0 .LBB2_14-.Ltmp6, $3  }
0x137: {  	_ =	sdelay $0x1  }
0x138: {  	[tilespmem:s9+$0x16200] =	vst v2;
	s9 =	sshra.s32 s17, $0x2;
	s17 =	sadd.s32 $0x200, s17  }
0x139: {  	v2 =	vld [tilespmem:s9+$0x18200]  }
0x13a: {  	_ =	sdelay $0x1  }
0x13b: {  	s7 =	sadd.s32 $0x1, s7  }
0x13c: {  	p0 =	sne.s32 s7, s16  }
.Ltmp7:
0x13d: {  	s17 =	simm.s32 $0x16200;
	[tilespmem:s9+$0x16200] =	vst v2;
	(pc) =	sbr.rel @p0 .LBB2_1-.Ltmp7, $4  }
0x13e: {  	[hbm4b:s15+s4] =	stream.linear.scatter [tilespmem:s17], [sflag:$0x7], $0x2000, $0x38;
	[tilespmem:$0x1E280] =	vst v63  }
0x13f: {  	_ =	swait.ge [sflag:s21], $0x2000  }
0x140: {  	[sflag:s21] =	ssyncset.done $0x0  }
0x141: {  	[sflag:s21] =	ssyncadd.s32 $0xFFFFE000  }
0x142: {  	_ =	sfence.sel $0x180000  }
0x143: {  	[bflag:$0x0] =	sbarrier.arrive $0xFFFF  }
0x144: {  	_ =	strace $0x90000047  }
0x145: {  	s0 =	stileid.u32;
	[bflag:$0x2] =	sbarrier.arrive $0xFFFF  }
0x146: {  	p0 =	sne.s32 s0, $0x0;
	s0 =	rddreg [dreg:$0x6]  }
0x147: {  	s0 =	sadd.s32 @!p0 $0x100000, s0  }
0x148: {  	[sflag:s0] =	ssyncadd.tile.s32 @!p0 $0x1;
	_ =	shalt  }
.Lfunc_end2:
_tile_overlayer_lowered:
.L_overlay_start_2:
0x149: {  	(tag) =	ssettag $0x2  }
0x14a: {  	s0 =	rddreg [dreg:$0x0];
	s2 =	stileid.u32  }
0x14b: {  	s1 =	rddreg [dreg:$0x1];
	p0 =	sne.s32 s2, $0x0  }
0x14c: {  	s3 =	rddreg [dreg:$0x2];
	[bflag:$0x3] =	sbarrier.arrive $0xFFFF;
	s2 =	simm.s32 @!p0 $0x1C07  }
0x14d: {  	[timem:s3], [sflag:s2] =	dma.local @!p0 [hbm:s0], s1  }
0x14e: {  	s0 =	simm.s32 @!p0 $0x7  }
0x14f: {  	_ =	swait.ge @!p0 [sflag:s0], s1  }
0x150: {  	s1 =	ssub.s32 @!p0 $0x0, s1;
	[sflag:s0] =	ssyncset.done @!p0 $0x0  }
0x151: {  	[sflag:s0] =	ssyncadd.s32 @!p0 s1  }
0x152: {  	[bflag:$0x3] =	sbarrier.arrive $0xFFFF  }
0x153: {  	_ =	shalt  }

</sc_bundles>
